<compile_context>
chip_gen: v7x
topology: tpu7x:2x2x1
jax: 0.10.2.dev20260603
libtpu: 0.0.44.dev20260713+nightly
codegen_flags: <defaults>
</compile_context>

<pallas_src>
import functools

import jax
import jax.numpy as jnp
from jax import lax
from jax.experimental import pallas as pl
from jax.experimental.pallas import tpu as pltpu
from jax.experimental.pallas import tpu_sc as plsc

_N_CLASSES = 1000
_FEAT = 128
_BATCH = 16384
_NC = 2
_NS = 16
_NW = _NC * _NS
_LANES = 16
_B_PER_W = _BATCH // _NW
_CHUNK = 128
_NCHUNK = _B_PER_W // _CHUNK


def _make_sc_kernel():
    mesh = plsc.VectorSubcoreMesh(core_axis_name="c", subcore_axis_name="s")

    @functools.partial(
        pl.kernel,
        mesh=mesh,
        out_type=jax.ShapeDtypeStruct((_NW, _LANES), jnp.float32),
        scratch_types=[
            pltpu.VMEM((_NCHUNK, _CHUNK), jnp.int32),
            pltpu.VMEM((2, _CHUNK, _FEAT), jnp.float32),
            pltpu.VMEM((_NCHUNK, _CHUNK, _FEAT), jnp.float32),
            pltpu.VMEM((_LANES,), jnp.float32),
            pltpu.SemaphoreType.DMA,
            pltpu.SemaphoreType.DMA,
        ],
    )
    def sc_kernel(x_hbm, labels_hbm, centers_hbm, out_hbm,
                  idx_v, cbuf, xbuf, acc_v, sem_x, sem_g):
        wid = lax.axis_index("s") * _NC + lax.axis_index("c")
        base = wid * _B_PER_W

        pltpu.sync_copy(labels_hbm.at[wid], idx_v)

        xcps = [
            pltpu.async_copy(
                x_hbm.at[pl.ds(base + j * _CHUNK, _CHUNK)], xbuf.at[j], sem_x)
            for j in range(_NCHUNK)
        ]
        g = pltpu.async_copy(centers_hbm.at[idx_v.at[0]], cbuf.at[0], sem_g)

        accs = tuple(jnp.zeros((_LANES,), jnp.float32)
                     for _ in range(_FEAT // _LANES))
        for j in range(_NCHUNK):
            g.wait()
            if j + 1 < _NCHUNK:
                g = pltpu.async_copy(
                    centers_hbm.at[idx_v.at[j + 1]], cbuf.at[(j + 1) % 2], sem_g)
            xcps[j].wait()

            def row_body(r, a, j=j):
                out = []
                for v in range(_FEAT // _LANES):
                    d = (xbuf[j, r, pl.ds(v * _LANES, _LANES)]
                         - cbuf[j % 2, r, pl.ds(v * _LANES, _LANES)])
                    out.append(a[v] + d * d)
                return tuple(out)

            accs = lax.fori_loop(0, _CHUNK, row_body, accs)

        acc = accs[0]
        for v in range(1, _FEAT // _LANES):
            acc = acc + accs[v]
        acc_v[...] = acc
        pltpu.sync_copy(acc_v, out_hbm.at[wid])

    return sc_kernel


_sc_kernel = _make_sc_kernel()


def kernel(x, labels, centers):
    labels_i32 = labels.astype(jnp.int32).reshape(_NW, _NCHUNK, _CHUNK)
    partials = _sc_kernel(x, labels_i32, centers)
    return jnp.sum(partials) / (2.0 * _BATCH)

# --- scband reference (transcript-rebuilt; emitter-appended) ---
"""Pipeline reference for scband-center-loss-61211873903004 (READ-ONLY COPY).

The authoritative reference and input builder live on the scoring server;
editing this copy changes nothing except your own understanding.
"""

import jax, jax.numpy as jnp
import numpy as np

N_CLASSES = 1000
FEAT_DIM = 128
BATCH = 16384


def setup_inputs(seed: int = 0) -> dict:
    key = jax.random.key(seed)
    k_x, k_lab, k_c = jax.random.split(key, 3)
    x = jax.random.normal(k_x, (BATCH, FEAT_DIM), dtype=jnp.float32)
    labels = jax.random.randint(k_lab, (BATCH,), 0, N_CLASSES, dtype=jnp.int64)
    centers = jax.random.normal(k_c, (N_CLASSES, FEAT_DIM), dtype=jnp.float32) * 0.01
    return {"x": x, "labels": labels, "centers": centers}


def reference(x, labels, centers):
    # gather class centers for each sample (SparseCore-friendly gather)
    batch_centers = jnp.take(centers, labels, axis=0)
    diff = x - batch_centers
    loss = jnp.mean(jnp.sum(diff ** 2, axis=-1)) / 2.0
    return loss

if __name__ == "__main__":
    import jax
    _d = setup_inputs()
    print(jax.jit(kernel)(*tuple(_d.values())))

</pallas_src>

<mosaic_0001>
#map = affine_map<(d0, d1) -> (0, 0)>
#map1 = affine_map<(d0, d1) -> (0, 0, 0)>
module attributes {stable_mosaic.version = 14 : i64} {
  func.func @sc_kernel(%arg0: i32, %arg1: i32, %arg2: memref<16384x128xf32, #tpu.memory_space<hbm>>, %arg3: memref<32x4x128xi32, #tpu.memory_space<hbm>>, %arg4: memref<1000x128xf32, #tpu.memory_space<hbm>>, %arg5: memref<32x16xf32, #tpu.memory_space<hbm>>, %arg6: memref<4x128xi32, #tpu.memory_space<vmem>>, %arg7: memref<2x128x128xf32, #tpu.memory_space<vmem>>, %arg8: memref<4x128x128xf32, #tpu.memory_space<vmem>>, %arg9: memref<16xf32, #tpu.memory_space<vmem>>, %arg10: memref<!tpu.dma_semaphore, #tpu.memory_space<semaphore_mem>>, %arg11: memref<!tpu.dma_semaphore, #tpu.memory_space<semaphore_mem>>) attributes {dimension_semantics = [#tpu.dimension_semantics<core_parallel>, #tpu.dimension_semantics<subcore_parallel>], iteration_bounds = array<i64: 2, 16>, scalar_prefetch = 0 : i64, scratch_operands = 6 : i64, tpu.core_type = #tpu.core_type<sc_vector_subcore>, window_params = [{transform_indices = #map}, {transform_indices = #map1}, {transform_indices = #map}, {transform_indices = #map}]} {
    %mul3A = arith.constant 2 : i32
    %mul3A_0 = arith.muli %arg1, %mul3A : i32
    %add3A = arith.addi %mul3A_0, %arg0 : i32
    %mul3A_1 = arith.constant 512 : i32
    %mul3A_2 = arith.muli %add3A, %mul3A_1 : i32
    "tpu.region"() ({
      %run_scoped3A = tpu.sem_alloc : memref<!tpu.dma_semaphore, #tpu.memory_space<semaphore_mem>>
      %dma_start3A_257 = arith.constant 0 : i32
      %dma_start3A_258 = arith.constant 0 : i32
      %dma_start3A_259 = tpu.memref_slice %arg3[%add3A, %dma_start3A_257, %dma_start3A_258] : memref<32x4x128xi32, #tpu.memory_space<hbm>> -> memref<1x4x128xi32, #tpu.memory_space<hbm>>
      %dma_start3A_260 = tpu.memref_squeeze %dma_start3A_259 : memref<1x4x128xi32, #tpu.memory_space<hbm>> -> memref<4x128xi32, #tpu.memory_space<hbm>>
      %dma_start3A_261 = arith.constant 0 : i32
      %dma_start3A_262 = arith.constant 0 : i32
      %dma_start3A_263 = tpu.memref_slice %arg3[%add3A, %dma_start3A_261, %dma_start3A_262] : memref<32x4x128xi32, #tpu.memory_space<hbm>> -> memref<1x4x128xi32, #tpu.memory_space<hbm>>
      %dma_start3A_264 = tpu.memref_squeeze %dma_start3A_263 : memref<1x4x128xi32, #tpu.memory_space<hbm>> -> memref<4x128xi32, #tpu.memory_space<hbm>>
      tpu.enqueue_dma source(%dma_start3A_264 : memref<4x128xi32, #tpu.memory_space<hbm>>) target(%arg6 : memref<4x128xi32, #tpu.memory_space<vmem>>) target_semaphore(%run_scoped3A : memref<!tpu.dma_semaphore, #tpu.memory_space<semaphore_mem>>)
      %dma_wait3A_265 = arith.constant 0 : i32
      %dma_wait3A_266 = arith.constant 0 : i32
      %dma_wait3A_267 = tpu.memref_slice %arg3[%add3A, %dma_wait3A_265, %dma_wait3A_266] : memref<32x4x128xi32, #tpu.memory_space<hbm>> -> memref<1x4x128xi32, #tpu.memory_space<hbm>>
      %dma_wait3A_268 = tpu.memref_squeeze %dma_wait3A_267 : memref<1x4x128xi32, #tpu.memory_space<hbm>> -> memref<4x128xi32, #tpu.memory_space<hbm>>
      %dma_wait3A_269 = arith.constant 0 : i32
      %dma_wait3A_270 = arith.constant 0 : i32
      %dma_wait3A_271 = tpu.memref_slice %arg3[%add3A, %dma_wait3A_269, %dma_wait3A_270] : memref<32x4x128xi32, #tpu.memory_space<hbm>> -> memref<1x4x128xi32, #tpu.memory_space<hbm>>
      %dma_wait3A_272 = tpu.memref_squeeze %dma_wait3A_271 : memref<1x4x128xi32, #tpu.memory_space<hbm>> -> memref<4x128xi32, #tpu.memory_space<hbm>>
      tpu.wait_dma2 semaphore(%run_scoped3A : memref<!tpu.dma_semaphore, #tpu.memory_space<semaphore_mem>>) src(%dma_wait3A_272 : memref<4x128xi32, #tpu.memory_space<hbm>>) dst(%arg6 : memref<4x128xi32, #tpu.memory_space<vmem>>)
      tpu.yield
    }) : () -> ()
    %add3A_3 = arith.constant 0 : i32
    %add3A_4 = arith.addi %mul3A_2, %add3A_3 : i32
    %dma_start3A = arith.constant 0 : i32
    %dma_start3A_5 = arith.constant 0 : i32
    %dma_start3A_6 = arith.constant 0 : i32
    %dma_start3A_7 = tpu.memref_slice %arg8[%dma_start3A, %dma_start3A_5, %dma_start3A_6] : memref<4x128x128xf32, #tpu.memory_space<vmem>> -> memref<1x128x128xf32, #tpu.memory_space<vmem>>
    %dma_start3A_8 = tpu.memref_squeeze %dma_start3A_7 : memref<1x128x128xf32, #tpu.memory_space<vmem>> -> memref<128x128xf32, #tpu.memory_space<vmem>>
    %dma_start3A_9 = arith.constant 0 : i32
    %dma_start3A_10 = tpu.memref_slice %arg2[%add3A_4, %dma_start3A_9] : memref<16384x128xf32, #tpu.memory_space<hbm>> -> memref<128x128xf32, #tpu.memory_space<hbm>>
    %dma_start3A_11 = arith.constant 0 : i32
    %dma_start3A_12 = arith.constant 0 : i32
    %dma_start3A_13 = tpu.memref_slice %arg8[%dma_start3A, %dma_start3A_11, %dma_start3A_12] : memref<4x128x128xf32, #tpu.memory_space<vmem>> -> memref<1x128x128xf32, #tpu.memory_space<vmem>>
    %dma_start3A_14 = tpu.memref_squeeze %dma_start3A_13 : memref<1x128x128xf32, #tpu.memory_space<vmem>> -> memref<128x128xf32, #tpu.memory_space<vmem>>
    %dma_start3A_15 = arith.constant 0 : i32
    %dma_start3A_16 = tpu.memref_slice %arg2[%add3A_4, %dma_start3A_15] : memref<16384x128xf32, #tpu.memory_space<hbm>> -> memref<128x128xf32, #tpu.memory_space<hbm>>
    tpu.enqueue_dma source(%dma_start3A_16 : memref<128x128xf32, #tpu.memory_space<hbm>>) target(%dma_start3A_14 : memref<128x128xf32, #tpu.memory_space<vmem>>) target_semaphore(%arg10 : memref<!tpu.dma_semaphore, #tpu.memory_space<semaphore_mem>>)
    %add3A_17 = arith.constant 128 : i32
    %add3A_18 = arith.addi %mul3A_2, %add3A_17 : i32
    %dma_start3A_19 = arith.constant 1 : i32
    %dma_start3A_20 = arith.constant 0 : i32
    %dma_start3A_21 = arith.constant 0 : i32
    %dma_start3A_22 = tpu.memref_slice %arg8[%dma_start3A_19, %dma_start3A_20, %dma_start3A_21] : memref<4x128x128xf32, #tpu.memory_space<vmem>> -> memref<1x128x128xf32, #tpu.memory_space<vmem>>
    %dma_start3A_23 = tpu.memref_squeeze %dma_start3A_22 : memref<1x128x128xf32, #tpu.memory_space<vmem>> -> memref<128x128xf32, #tpu.memory_space<vmem>>
    %dma_start3A_24 = arith.constant 0 : i32
    %dma_start3A_25 = tpu.memref_slice %arg2[%add3A_18, %dma_start3A_24] : memref<16384x128xf32, #tpu.memory_space<hbm>> -> memref<128x128xf32, #tpu.memory_space<hbm>>
    %dma_start3A_26 = arith.constant 0 : i32
    %dma_start3A_27 = arith.constant 0 : i32
    %dma_start3A_28 = tpu.memref_slice %arg8[%dma_start3A_19, %dma_start3A_26, %dma_start3A_27] : memref<4x128x128xf32, #tpu.memory_space<vmem>> -> memref<1x128x128xf32, #tpu.memory_space<vmem>>
    %dma_start3A_29 = tpu.memref_squeeze %dma_start3A_28 : memref<1x128x128xf32, #tpu.memory_space<vmem>> -> memref<128x128xf32, #tpu.memory_space<vmem>>
    %dma_start3A_30 = arith.constant 0 : i32
    %dma_start3A_31 = tpu.memref_slice %arg2[%add3A_18, %dma_start3A_30] : memref<16384x128xf32, #tpu.memory_space<hbm>> -> memref<128x128xf32, #tpu.memory_space<hbm>>
    tpu.enqueue_dma source(%dma_start3A_31 : memref<128x128xf32, #tpu.memory_space<hbm>>) target(%dma_start3A_29 : memref<128x128xf32, #tpu.memory_space<vmem>>) target_semaphore(%arg10 : memref<!tpu.dma_semaphore, #tpu.memory_space<semaphore_mem>>)
    %add3A_32 = arith.constant 256 : i32
    %add3A_33 = arith.addi %mul3A_2, %add3A_32 : i32
    %dma_start3A_34 = arith.constant 2 : i32
    %dma_start3A_35 = arith.constant 0 : i32
    %dma_start3A_36 = arith.constant 0 : i32
    %dma_start3A_37 = tpu.memref_slice %arg8[%dma_start3A_34, %dma_start3A_35, %dma_start3A_36] : memref<4x128x128xf32, #tpu.memory_space<vmem>> -> memref<1x128x128xf32, #tpu.memory_space<vmem>>
    %dma_start3A_38 = tpu.memref_squeeze %dma_start3A_37 : memref<1x128x128xf32, #tpu.memory_space<vmem>> -> memref<128x128xf32, #tpu.memory_space<vmem>>
    %dma_start3A_39 = arith.constant 0 : i32
    %dma_start3A_40 = tpu.memref_slice %arg2[%add3A_33, %dma_start3A_39] : memref<16384x128xf32, #tpu.memory_space<hbm>> -> memref<128x128xf32, #tpu.memory_space<hbm>>
    %dma_start3A_41 = arith.constant 0 : i32
    %dma_start3A_42 = arith.constant 0 : i32
    %dma_start3A_43 = tpu.memref_slice %arg8[%dma_start3A_34, %dma_start3A_41, %dma_start3A_42] : memref<4x128x128xf32, #tpu.memory_space<vmem>> -> memref<1x128x128xf32, #tpu.memory_space<vmem>>
    %dma_start3A_44 = tpu.memref_squeeze %dma_start3A_43 : memref<1x128x128xf32, #tpu.memory_space<vmem>> -> memref<128x128xf32, #tpu.memory_space<vmem>>
    %dma_start3A_45 = arith.constant 0 : i32
    %dma_start3A_46 = tpu.memref_slice %arg2[%add3A_33, %dma_start3A_45] : memref<16384x128xf32, #tpu.memory_space<hbm>> -> memref<128x128xf32, #tpu.memory_space<hbm>>
    tpu.enqueue_dma source(%dma_start3A_46 : memref<128x128xf32, #tpu.memory_space<hbm>>) target(%dma_start3A_44 : memref<128x128xf32, #tpu.memory_space<vmem>>) target_semaphore(%arg10 : memref<!tpu.dma_semaphore, #tpu.memory_space<semaphore_mem>>)
    %add3A_47 = arith.constant 384 : i32
    %add3A_48 = arith.addi %mul3A_2, %add3A_47 : i32
    %dma_start3A_49 = arith.constant 3 : i32
    %dma_start3A_50 = arith.constant 0 : i32
    %dma_start3A_51 = arith.constant 0 : i32
    %dma_start3A_52 = tpu.memref_slice %arg8[%dma_start3A_49, %dma_start3A_50, %dma_start3A_51] : memref<4x128x128xf32, #tpu.memory_space<vmem>> -> memref<1x128x128xf32, #tpu.memory_space<vmem>>
    %dma_start3A_53 = tpu.memref_squeeze %dma_start3A_52 : memref<1x128x128xf32, #tpu.memory_space<vmem>> -> memref<128x128xf32, #tpu.memory_space<vmem>>
    %dma_start3A_54 = arith.constant 0 : i32
    %dma_start3A_55 = tpu.memref_slice %arg2[%add3A_48, %dma_start3A_54] : memref<16384x128xf32, #tpu.memory_space<hbm>> -> memref<128x128xf32, #tpu.memory_space<hbm>>
    %dma_start3A_56 = arith.constant 0 : i32
    %dma_start3A_57 = arith.constant 0 : i32
    %dma_start3A_58 = tpu.memref_slice %arg8[%dma_start3A_49, %dma_start3A_56, %dma_start3A_57] : memref<4x128x128xf32, #tpu.memory_space<vmem>> -> memref<1x128x128xf32, #tpu.memory_space<vmem>>
    %dma_start3A_59 = tpu.memref_squeeze %dma_start3A_58 : memref<1x128x128xf32, #tpu.memory_space<vmem>> -> memref<128x128xf32, #tpu.memory_space<vmem>>
    %dma_start3A_60 = arith.constant 0 : i32
    %dma_start3A_61 = tpu.memref_slice %arg2[%add3A_48, %dma_start3A_60] : memref<16384x128xf32, #tpu.memory_space<hbm>> -> memref<128x128xf32, #tpu.memory_space<hbm>>
    tpu.enqueue_dma source(%dma_start3A_61 : memref<128x128xf32, #tpu.memory_space<hbm>>) target(%dma_start3A_59 : memref<128x128xf32, #tpu.memory_space<vmem>>) target_semaphore(%arg10 : memref<!tpu.dma_semaphore, #tpu.memory_space<semaphore_mem>>)
    %dma_start3A_62 = arith.constant 0 : i32
    %dma_start3A_63 = arith.constant 0 : i32
    %dma_start3A_64 = arith.constant 0 : i32
    %dma_start3A_65 = arith.constant 0 : i32
    %dma_start3A_66 = tpu.memref_slice %arg7[%dma_start3A_63, %dma_start3A_64, %dma_start3A_65] : memref<2x128x128xf32, #tpu.memory_space<vmem>> -> memref<1x128x128xf32, #tpu.memory_space<vmem>>
    %dma_start3A_67 = tpu.memref_squeeze %dma_start3A_66 : memref<1x128x128xf32, #tpu.memory_space<vmem>> -> memref<128x128xf32, #tpu.memory_space<vmem>>
    %dma_start3A_68 = arith.constant 0 : i32
    %dma_start3A_69 = tpu.memref_slice %arg6[%dma_start3A_62, %dma_start3A_68] : memref<4x128xi32, #tpu.memory_space<vmem>> -> memref<1x128xi32, #tpu.memory_space<vmem>>
    %dma_start3A_70 = tpu.memref_squeeze %dma_start3A_69 : memref<1x128xi32, #tpu.memory_space<vmem>> -> memref<128xi32, #tpu.memory_space<vmem>>
    %dma_start3A_71 = arith.constant 0 : i32
    %dma_start3A_72 = arith.constant 0 : i32
    %dma_start3A_73 = tpu.memref_slice %arg4[%dma_start3A_71, %dma_start3A_72] : memref<1000x128xf32, #tpu.memory_space<hbm>> -> memref<1000x128xf32, #tpu.memory_space<hbm>>
    tpu.enqueue_indirect_dma source(%dma_start3A_73 : memref<1000x128xf32, #tpu.memory_space<hbm>>) target(%dma_start3A_67 : memref<128x128xf32, #tpu.memory_space<vmem>>) offsets(%dma_start3A_70 : memref<128xi32, #tpu.memory_space<vmem>>) semaphore(%arg11 : memref<!tpu.dma_semaphore, #tpu.memory_space<semaphore_mem>>)
    %broadcast_in_dim3A = arith.constant 0.000000e+00 : f32
    %broadcast_in_dim3A_74 = vector.broadcast %broadcast_in_dim3A : f32 to vector<16xf32>
    %broadcast_in_dim3A_75 = arith.constant 0.000000e+00 : f32
    %broadcast_in_dim3A_76 = vector.broadcast %broadcast_in_dim3A_75 : f32 to vector<16xf32>
    %broadcast_in_dim3A_77 = arith.constant 0.000000e+00 : f32
    %broadcast_in_dim3A_78 = vector.broadcast %broadcast_in_dim3A_77 : f32 to vector<16xf32>
    %broadcast_in_dim3A_79 = arith.constant 0.000000e+00 : f32
    %broadcast_in_dim3A_80 = vector.broadcast %broadcast_in_dim3A_79 : f32 to vector<16xf32>
    %broadcast_in_dim3A_81 = arith.constant 0.000000e+00 : f32
    %broadcast_in_dim3A_82 = vector.broadcast %broadcast_in_dim3A_81 : f32 to vector<16xf32>
    %broadcast_in_dim3A_83 = arith.constant 0.000000e+00 : f32
    %broadcast_in_dim3A_84 = vector.broadcast %broadcast_in_dim3A_83 : f32 to vector<16xf32>
    %broadcast_in_dim3A_85 = arith.constant 0.000000e+00 : f32
    %broadcast_in_dim3A_86 = vector.broadcast %broadcast_in_dim3A_85 : f32 to vector<16xf32>
    %broadcast_in_dim3A_87 = arith.constant 0.000000e+00 : f32
    %broadcast_in_dim3A_88 = vector.broadcast %broadcast_in_dim3A_87 : f32 to vector<16xf32>
    %dma_wait3A = arith.constant 0 : i32
    %dma_wait3A_89 = arith.constant 0 : i32
    %dma_wait3A_90 = arith.constant 0 : i32
    %dma_wait3A_91 = arith.constant 0 : i32
    %dma_wait3A_92 = tpu.memref_slice %arg7[%dma_wait3A_89, %dma_wait3A_90, %dma_wait3A_91] : memref<2x128x128xf32, #tpu.memory_space<vmem>> -> memref<1x128x128xf32, #tpu.memory_space<vmem>>
    %dma_wait3A_93 = tpu.memref_squeeze %dma_wait3A_92 : memref<1x128x128xf32, #tpu.memory_space<vmem>> -> memref<128x128xf32, #tpu.memory_space<vmem>>
    %dma_wait3A_94 = arith.constant 0 : i32
    %dma_wait3A_95 = tpu.memref_slice %arg6[%dma_wait3A, %dma_wait3A_94] : memref<4x128xi32, #tpu.memory_space<vmem>> -> memref<1x128xi32, #tpu.memory_space<vmem>>
    %dma_wait3A_96 = tpu.memref_squeeze %dma_wait3A_95 : memref<1x128xi32, #tpu.memory_space<vmem>> -> memref<128xi32, #tpu.memory_space<vmem>>
    %dma_wait3A_97 = arith.constant 0 : i32
    %dma_wait3A_98 = arith.constant 0 : i32
    %dma_wait3A_99 = tpu.memref_slice %arg4[%dma_wait3A_97, %dma_wait3A_98] : memref<1000x128xf32, #tpu.memory_space<hbm>> -> memref<1000x128xf32, #tpu.memory_space<hbm>>
    tpu.wait_indirect_dma semaphore(%arg11 : memref<!tpu.dma_semaphore, #tpu.memory_space<semaphore_mem>>) src(%dma_wait3A_99 : memref<1000x128xf32, #tpu.memory_space<hbm>>) dst(%dma_wait3A_93 : memref<128x128xf32, #tpu.memory_space<vmem>>)
    %dma_start3A_100 = arith.constant 1 : i32
    %dma_start3A_101 = arith.constant 1 : i32
    %dma_start3A_102 = arith.constant 0 : i32
    %dma_start3A_103 = arith.constant 0 : i32
    %dma_start3A_104 = tpu.memref_slice %arg7[%dma_start3A_101, %dma_start3A_102, %dma_start3A_103] : memref<2x128x128xf32, #tpu.memory_space<vmem>> -> memref<1x128x128xf32, #tpu.memory_space<vmem>>
    %dma_start3A_105 = tpu.memref_squeeze %dma_start3A_104 : memref<1x128x128xf32, #tpu.memory_space<vmem>> -> memref<128x128xf32, #tpu.memory_space<vmem>>
    %dma_start3A_106 = arith.constant 0 : i32
    %dma_start3A_107 = tpu.memref_slice %arg6[%dma_start3A_100, %dma_start3A_106] : memref<4x128xi32, #tpu.memory_space<vmem>> -> memref<1x128xi32, #tpu.memory_space<vmem>>
    %dma_start3A_108 = tpu.memref_squeeze %dma_start3A_107 : memref<1x128xi32, #tpu.memory_space<vmem>> -> memref<128xi32, #tpu.memory_space<vmem>>
    %dma_start3A_109 = arith.constant 0 : i32
    %dma_start3A_110 = arith.constant 0 : i32
    %dma_start3A_111 = tpu.memref_slice %arg4[%dma_start3A_109, %dma_start3A_110] : memref<1000x128xf32, #tpu.memory_space<hbm>> -> memref<1000x128xf32, #tpu.memory_space<hbm>>
    tpu.enqueue_indirect_dma source(%dma_start3A_111 : memref<1000x128xf32, #tpu.memory_space<hbm>>) target(%dma_start3A_105 : memref<128x128xf32, #tpu.memory_space<vmem>>) offsets(%dma_start3A_108 : memref<128xi32, #tpu.memory_space<vmem>>) semaphore(%arg11 : memref<!tpu.dma_semaphore, #tpu.memory_space<semaphore_mem>>)
    %dma_wait3A_112 = arith.constant 0 : i32
    %dma_wait3A_113 = arith.constant 0 : i32
    %dma_wait3A_114 = arith.constant 0 : i32
    %dma_wait3A_115 = tpu.memref_slice %arg8[%dma_wait3A_112, %dma_wait3A_113, %dma_wait3A_114] : memref<4x128x128xf32, #tpu.memory_space<vmem>> -> memref<1x128x128xf32, #tpu.memory_space<vmem>>
    %dma_wait3A_116 = tpu.memref_squeeze %dma_wait3A_115 : memref<1x128x128xf32, #tpu.memory_space<vmem>> -> memref<128x128xf32, #tpu.memory_space<vmem>>
    %dma_wait3A_117 = arith.constant 0 : i32
    %dma_wait3A_118 = tpu.memref_slice %arg2[%add3A_4, %dma_wait3A_117] : memref<16384x128xf32, #tpu.memory_space<hbm>> -> memref<128x128xf32, #tpu.memory_space<hbm>>
    %dma_wait3A_119 = arith.constant 0 : i32
    %dma_wait3A_120 = arith.constant 0 : i32
    %dma_wait3A_121 = tpu.memref_slice %arg8[%dma_wait3A_112, %dma_wait3A_119, %dma_wait3A_120] : memref<4x128x128xf32, #tpu.memory_space<vmem>> -> memref<1x128x128xf32, #tpu.memory_space<vmem>>
    %dma_wait3A_122 = tpu.memref_squeeze %dma_wait3A_121 : memref<1x128x128xf32, #tpu.memory_space<vmem>> -> memref<128x128xf32, #tpu.memory_space<vmem>>
    %dma_wait3A_123 = arith.constant 0 : i32
    %dma_wait3A_124 = tpu.memref_slice %arg2[%add3A_4, %dma_wait3A_123] : memref<16384x128xf32, #tpu.memory_space<hbm>> -> memref<128x128xf32, #tpu.memory_space<hbm>>
    tpu.wait_dma2 semaphore(%arg10 : memref<!tpu.dma_semaphore, #tpu.memory_space<semaphore_mem>>) src(%dma_wait3A_124 : memref<128x128xf32, #tpu.memory_space<hbm>>) dst(%dma_wait3A_122 : memref<128x128xf32, #tpu.memory_space<vmem>>)
    %scan3A = arith.constant 0 : i32
    %scan3A_125 = arith.constant 128 : i32
    %scan3A_126 = arith.addi %scan3A, %scan3A_125 : i32
    %scan3A_127 = arith.constant 1 : i32
    %scan3A_128:8 = scf.for %scan3A_257 = %scan3A to %scan3A_126 step %scan3A_127 iter_args(%scan3A_258 = %broadcast_in_dim3A_74, %scan3A_259 = %broadcast_in_dim3A_76, %scan3A_260 = %broadcast_in_dim3A_78, %scan3A_261 = %broadcast_in_dim3A_80, %scan3A_262 = %broadcast_in_dim3A_82, %scan3A_263 = %broadcast_in_dim3A_84, %scan3A_264 = %broadcast_in_dim3A_86, %scan3A_265 = %broadcast_in_dim3A_88) -> (vector<16xf32>, vector<16xf32>, vector<16xf32>, vector<16xf32>, vector<16xf32>, vector<16xf32>, vector<16xf32>, vector<16xf32>)  : i32 {
      %get3A = arith.constant 0 : i32
      %get3A_266 = arith.index_cast %get3A : i32 to index
      %get3A_267 = arith.index_cast %scan3A_257 : i32 to index
      %get3A_268 = arith.constant 0 : index
      %get3A_269 = tpu.vector_load %arg8[%get3A_266, %get3A_267, %get3A_268] {strides = array<i32>} : memref<4x128x128xf32, #tpu.memory_space<vmem>>, vector<1x1x16xf32>,
      %get3A_270 = vector.shape_cast %get3A_269 : vector<1x1x16xf32> to vector<16xf32>
      %get3A_271 = arith.constant 0 : i32
      %get3A_272 = arith.index_cast %get3A_271 : i32 to index
      %get3A_273 = arith.index_cast %scan3A_257 : i32 to index
      %get3A_274 = arith.constant 0 : index
      %get3A_275 = tpu.vector_load %arg7[%get3A_272, %get3A_273, %get3A_274] {strides = array<i32>} : memref<2x128x128xf32, #tpu.memory_space<vmem>>, vector<1x1x16xf32>,
      %get3A_276 = vector.shape_cast %get3A_275 : vector<1x1x16xf32> to vector<16xf32>
      %sub3A = arith.subf %get3A_270, %get3A_276 : vector<16xf32>
      %mul3A_277 = arith.mulf %sub3A, %sub3A : vector<16xf32>
      %add3A_278 = arith.addf %scan3A_258, %mul3A_277 : vector<16xf32>
      %get3A_279 = arith.constant 0 : i32
      %get3A_280 = arith.index_cast %get3A_279 : i32 to index
      %get3A_281 = arith.index_cast %scan3A_257 : i32 to index
      %get3A_282 = arith.constant 16 : index
      %get3A_283 = tpu.vector_load %arg8[%get3A_280, %get3A_281, %get3A_282] {strides = array<i32>} : memref<4x128x128xf32, #tpu.memory_space<vmem>>, vector<1x1x16xf32>,
      %get3A_284 = vector.shape_cast %get3A_283 : vector<1x1x16xf32> to vector<16xf32>
      %get3A_285 = arith.constant 0 : i32
      %get3A_286 = arith.index_cast %get3A_285 : i32 to index
      %get3A_287 = arith.index_cast %scan3A_257 : i32 to index
      %get3A_288 = arith.constant 16 : index
      %get3A_289 = tpu.vector_load %arg7[%get3A_286, %get3A_287, %get3A_288] {strides = array<i32>} : memref<2x128x128xf32, #tpu.memory_space<vmem>>, vector<1x1x16xf32>,
      %get3A_290 = vector.shape_cast %get3A_289 : vector<1x1x16xf32> to vector<16xf32>
      %sub3A_291 = arith.subf %get3A_284, %get3A_290 : vector<16xf32>
      %mul3A_292 = arith.mulf %sub3A_291, %sub3A_291 : vector<16xf32>
      %add3A_293 = arith.addf %scan3A_259, %mul3A_292 : vector<16xf32>
      %get3A_294 = arith.constant 0 : i32
      %get3A_295 = arith.index_cast %get3A_294 : i32 to index
      %get3A_296 = arith.index_cast %scan3A_257 : i32 to index
      %get3A_297 = arith.constant 32 : index
      %get3A_298 = tpu.vector_load %arg8[%get3A_295, %get3A_296, %get3A_297] {strides = array<i32>} : memref<4x128x128xf32, #tpu.memory_space<vmem>>, vector<1x1x16xf32>,
      %get3A_299 = vector.shape_cast %get3A_298 : vector<1x1x16xf32> to vector<16xf32>
      %get3A_300 = arith.constant 0 : i32
      %get3A_301 = arith.index_cast %get3A_300 : i32 to index
      %get3A_302 = arith.index_cast %scan3A_257 : i32 to index
      %get3A_303 = arith.constant 32 : index
      %get3A_304 = tpu.vector_load %arg7[%get3A_301, %get3A_302, %get3A_303] {strides = array<i32>} : memref<2x128x128xf32, #tpu.memory_space<vmem>>, vector<1x1x16xf32>,
      %get3A_305 = vector.shape_cast %get3A_304 : vector<1x1x16xf32> to vector<16xf32>
      %sub3A_306 = arith.subf %get3A_299, %get3A_305 : vector<16xf32>
      %mul3A_307 = arith.mulf %sub3A_306, %sub3A_306 : vector<16xf32>
      %add3A_308 = arith.addf %scan3A_260, %mul3A_307 : vector<16xf32>
      %get3A_309 = arith.constant 0 : i32
      %get3A_310 = arith.index_cast %get3A_309 : i32 to index
      %get3A_311 = arith.index_cast %scan3A_257 : i32 to index
      %get3A_312 = arith.constant 48 : index
      %get3A_313 = tpu.vector_load %arg8[%get3A_310, %get3A_311, %get3A_312] {strides = array<i32>} : memref<4x128x128xf32, #tpu.memory_space<vmem>>, vector<1x1x16xf32>,
      %get3A_314 = vector.shape_cast %get3A_313 : vector<1x1x16xf32> to vector<16xf32>
      %get3A_315 = arith.constant 0 : i32
      %get3A_316 = arith.index_cast %get3A_315 : i32 to index
      %get3A_317 = arith.index_cast %scan3A_257 : i32 to index
      %get3A_318 = arith.constant 48 : index
      %get3A_319 = tpu.vector_load %arg7[%get3A_316, %get3A_317, %get3A_318] {strides = array<i32>} : memref<2x128x128xf32, #tpu.memory_space<vmem>>, vector<1x1x16xf32>,
      %get3A_320 = vector.shape_cast %get3A_319 : vector<1x1x16xf32> to vector<16xf32>
      %sub3A_321 = arith.subf %get3A_314, %get3A_320 : vector<16xf32>
      %mul3A_322 = arith.mulf %sub3A_321, %sub3A_321 : vector<16xf32>
      %add3A_323 = arith.addf %scan3A_261, %mul3A_322 : vector<16xf32>
      %get3A_324 = arith.constant 0 : i32
      %get3A_325 = arith.index_cast %get3A_324 : i32 to index
      %get3A_326 = arith.index_cast %scan3A_257 : i32 to index
      %get3A_327 = arith.constant 64 : index
      %get3A_328 = tpu.vector_load %arg8[%get3A_325, %get3A_326, %get3A_327] {strides = array<i32>} : memref<4x128x128xf32, #tpu.memory_space<vmem>>, vector<1x1x16xf32>,
      %get3A_329 = vector.shape_cast %get3A_328 : vector<1x1x16xf32> to vector<16xf32>
      %get3A_330 = arith.constant 0 : i32
      %get3A_331 = arith.index_cast %get3A_330 : i32 to index
      %get3A_332 = arith.index_cast %scan3A_257 : i32 to index
      %get3A_333 = arith.constant 64 : index
      %get3A_334 = tpu.vector_load %arg7[%get3A_331, %get3A_332, %get3A_333] {strides = array<i32>} : memref<2x128x128xf32, #tpu.memory_space<vmem>>, vector<1x1x16xf32>,
      %get3A_335 = vector.shape_cast %get3A_334 : vector<1x1x16xf32> to vector<16xf32>
      %sub3A_336 = arith.subf %get3A_329, %get3A_335 : vector<16xf32>
      %mul3A_337 = arith.mulf %sub3A_336, %sub3A_336 : vector<16xf32>
      %add3A_338 = arith.addf %scan3A_262, %mul3A_337 : vector<16xf32>
      %get3A_339 = arith.constant 0 : i32
      %get3A_340 = arith.index_cast %get3A_339 : i32 to index
      %get3A_341 = arith.index_cast %scan3A_257 : i32 to index
      %get3A_342 = arith.constant 80 : index
      %get3A_343 = tpu.vector_load %arg8[%get3A_340, %get3A_341, %get3A_342] {strides = array<i32>} : memref<4x128x128xf32, #tpu.memory_space<vmem>>, vector<1x1x16xf32>,
      %get3A_344 = vector.shape_cast %get3A_343 : vector<1x1x16xf32> to vector<16xf32>
      %get3A_345 = arith.constant 0 : i32
      %get3A_346 = arith.index_cast %get3A_345 : i32 to index
      %get3A_347 = arith.index_cast %scan3A_257 : i32 to index
      %get3A_348 = arith.constant 80 : index
      %get3A_349 = tpu.vector_load %arg7[%get3A_346, %get3A_347, %get3A_348] {strides = array<i32>} : memref<2x128x128xf32, #tpu.memory_space<vmem>>, vector<1x1x16xf32>,
      %get3A_350 = vector.shape_cast %get3A_349 : vector<1x1x16xf32> to vector<16xf32>
      %sub3A_351 = arith.subf %get3A_344, %get3A_350 : vector<16xf32>
      %mul3A_352 = arith.mulf %sub3A_351, %sub3A_351 : vector<16xf32>
      %add3A_353 = arith.addf %scan3A_263, %mul3A_352 : vector<16xf32>
      %get3A_354 = arith.constant 0 : i32
      %get3A_355 = arith.index_cast %get3A_354 : i32 to index
      %get3A_356 = arith.index_cast %scan3A_257 : i32 to index
      %get3A_357 = arith.constant 96 : index
      %get3A_358 = tpu.vector_load %arg8[%get3A_355, %get3A_356, %get3A_357] {strides = array<i32>} : memref<4x128x128xf32, #tpu.memory_space<vmem>>, vector<1x1x16xf32>,
      %get3A_359 = vector.shape_cast %get3A_358 : vector<1x1x16xf32> to vector<16xf32>
      %get3A_360 = arith.constant 0 : i32
      %get3A_361 = arith.index_cast %get3A_360 : i32 to index
      %get3A_362 = arith.index_cast %scan3A_257 : i32 to index
      %get3A_363 = arith.constant 96 : index
      %get3A_364 = tpu.vector_load %arg7[%get3A_361, %get3A_362, %get3A_363] {strides = array<i32>} : memref<2x128x128xf32, #tpu.memory_space<vmem>>, vector<1x1x16xf32>,
      %get3A_365 = vector.shape_cast %get3A_364 : vector<1x1x16xf32> to vector<16xf32>
      %sub3A_366 = arith.subf %get3A_359, %get3A_365 : vector<16xf32>
      %mul3A_367 = arith.mulf %sub3A_366, %sub3A_366 : vector<16xf32>
      %add3A_368 = arith.addf %scan3A_264, %mul3A_367 : vector<16xf32>
      %get3A_369 = arith.constant 0 : i32
      %get3A_370 = arith.index_cast %get3A_369 : i32 to index
      %get3A_371 = arith.index_cast %scan3A_257 : i32 to index
      %get3A_372 = arith.constant 112 : index
      %get3A_373 = tpu.vector_load %arg8[%get3A_370, %get3A_371, %get3A_372] {strides = array<i32>} : memref<4x128x128xf32, #tpu.memory_space<vmem>>, vector<1x1x16xf32>,
      %get3A_374 = vector.shape_cast %get3A_373 : vector<1x1x16xf32> to vector<16xf32>
      %get3A_375 = arith.constant 0 : i32
      %get3A_376 = arith.index_cast %get3A_375 : i32 to index
      %get3A_377 = arith.index_cast %scan3A_257 : i32 to index
      %get3A_378 = arith.constant 112 : index
      %get3A_379 = tpu.vector_load %arg7[%get3A_376, %get3A_377, %get3A_378] {strides = array<i32>} : memref<2x128x128xf32, #tpu.memory_space<vmem>>, vector<1x1x16xf32>,
      %get3A_380 = vector.shape_cast %get3A_379 : vector<1x1x16xf32> to vector<16xf32>
      %sub3A_381 = arith.subf %get3A_374, %get3A_380 : vector<16xf32>
      %mul3A_382 = arith.mulf %sub3A_381, %sub3A_381 : vector<16xf32>
      %add3A_383 = arith.addf %scan3A_265, %mul3A_382 : vector<16xf32>
      scf.yield %add3A_278, %add3A_293, %add3A_308, %add3A_323, %add3A_338, %add3A_353, %add3A_368, %add3A_383 : vector<16xf32>, vector<16xf32>, vector<16xf32>, vector<16xf32>, vector<16xf32>, vector<16xf32>, vector<16xf32>, vector<16xf32>
    }
    %scan3A_129 = arith.constant 128 : i32
    %dma_wait3A_130 = arith.constant 1 : i32
    %dma_wait3A_131 = arith.constant 1 : i32
    %dma_wait3A_132 = arith.constant 0 : i32
    %dma_wait3A_133 = arith.constant 0 : i32
    %dma_wait3A_134 = tpu.memref_slice %arg7[%dma_wait3A_131, %dma_wait3A_132, %dma_wait3A_133] : memref<2x128x128xf32, #tpu.memory_space<vmem>> -> memref<1x128x128xf32, #tpu.memory_space<vmem>>
    %dma_wait3A_135 = tpu.memref_squeeze %dma_wait3A_134 : memref<1x128x128xf32, #tpu.memory_space<vmem>> -> memref<128x128xf32, #tpu.memory_space<vmem>>
    %dma_wait3A_136 = arith.constant 0 : i32
    %dma_wait3A_137 = tpu.memref_slice %arg6[%dma_wait3A_130, %dma_wait3A_136] : memref<4x128xi32, #tpu.memory_space<vmem>> -> memref<1x128xi32, #tpu.memory_space<vmem>>
    %dma_wait3A_138 = tpu.memref_squeeze %dma_wait3A_137 : memref<1x128xi32, #tpu.memory_space<vmem>> -> memref<128xi32, #tpu.memory_space<vmem>>
    %dma_wait3A_139 = arith.constant 0 : i32
    %dma_wait3A_140 = arith.constant 0 : i32
    %dma_wait3A_141 = tpu.memref_slice %arg4[%dma_wait3A_139, %dma_wait3A_140] : memref<1000x128xf32, #tpu.memory_space<hbm>> -> memref<1000x128xf32, #tpu.memory_space<hbm>>
    tpu.wait_indirect_dma semaphore(%arg11 : memref<!tpu.dma_semaphore, #tpu.memory_space<semaphore_mem>>) src(%dma_wait3A_141 : memref<1000x128xf32, #tpu.memory_space<hbm>>) dst(%dma_wait3A_135 : memref<128x128xf32, #tpu.memory_space<vmem>>)
    %dma_start3A_142 = arith.constant 2 : i32
    %dma_start3A_143 = arith.constant 0 : i32
    %dma_start3A_144 = arith.constant 0 : i32
    %dma_start3A_145 = arith.constant 0 : i32
    %dma_start3A_146 = tpu.memref_slice %arg7[%dma_start3A_143, %dma_start3A_144, %dma_start3A_145] : memref<2x128x128xf32, #tpu.memory_space<vmem>> -> memref<1x128x128xf32, #tpu.memory_space<vmem>>
    %dma_start3A_147 = tpu.memref_squeeze %dma_start3A_146 : memref<1x128x128xf32, #tpu.memory_space<vmem>> -> memref<128x128xf32, #tpu.memory_space<vmem>>
    %dma_start3A_148 = arith.constant 0 : i32
    %dma_start3A_149 = tpu.memref_slice %arg6[%dma_start3A_142, %dma_start3A_148] : memref<4x128xi32, #tpu.memory_space<vmem>> -> memref<1x128xi32, #tpu.memory_space<vmem>>
    %dma_start3A_150 = tpu.memref_squeeze %dma_start3A_149 : memref<1x128xi32, #tpu.memory_space<vmem>> -> memref<128xi32, #tpu.memory_space<vmem>>
    %dma_start3A_151 = arith.constant 0 : i32
    %dma_start3A_152 = arith.constant 0 : i32
    %dma_start3A_153 = tpu.memref_slice %arg4[%dma_start3A_151, %dma_start3A_152] : memref<1000x128xf32, #tpu.memory_space<hbm>> -> memref<1000x128xf32, #tpu.memory_space<hbm>>
    tpu.enqueue_indirect_dma source(%dma_start3A_153 : memref<1000x128xf32, #tpu.memory_space<hbm>>) target(%dma_start3A_147 : memref<128x128xf32, #tpu.memory_space<vmem>>) offsets(%dma_start3A_150 : memref<128xi32, #tpu.memory_space<vmem>>) semaphore(%arg11 : memref<!tpu.dma_semaphore, #tpu.memory_space<semaphore_mem>>)
    %dma_wait3A_154 = arith.constant 1 : i32
    %dma_wait3A_155 = arith.constant 0 : i32
    %dma_wait3A_156 = arith.constant 0 : i32
    %dma_wait3A_157 = tpu.memref_slice %arg8[%dma_wait3A_154, %dma_wait3A_155, %dma_wait3A_156] : memref<4x128x128xf32, #tpu.memory_space<vmem>> -> memref<1x128x128xf32, #tpu.memory_space<vmem>>
    %dma_wait3A_158 = tpu.memref_squeeze %dma_wait3A_157 : memref<1x128x128xf32, #tpu.memory_space<vmem>> -> memref<128x128xf32, #tpu.memory_space<vmem>>
    %dma_wait3A_159 = arith.constant 0 : i32
    %dma_wait3A_160 = tpu.memref_slice %arg2[%add3A_18, %dma_wait3A_159] : memref<16384x128xf32, #tpu.memory_space<hbm>> -> memref<128x128xf32, #tpu.memory_space<hbm>>
    %dma_wait3A_161 = arith.constant 0 : i32
    %dma_wait3A_162 = arith.constant 0 : i32
    %dma_wait3A_163 = tpu.memref_slice %arg8[%dma_wait3A_154, %dma_wait3A_161, %dma_wait3A_162] : memref<4x128x128xf32, #tpu.memory_space<vmem>> -> memref<1x128x128xf32, #tpu.memory_space<vmem>>
    %dma_wait3A_164 = tpu.memref_squeeze %dma_wait3A_163 : memref<1x128x128xf32, #tpu.memory_space<vmem>> -> memref<128x128xf32, #tpu.memory_space<vmem>>
    %dma_wait3A_165 = arith.constant 0 : i32
    %dma_wait3A_166 = tpu.memref_slice %arg2[%add3A_18, %dma_wait3A_165] : memref<16384x128xf32, #tpu.memory_space<hbm>> -> memref<128x128xf32, #tpu.memory_space<hbm>>
    tpu.wait_dma2 semaphore(%arg10 : memref<!tpu.dma_semaphore, #tpu.memory_space<semaphore_mem>>) src(%dma_wait3A_166 : memref<128x128xf32, #tpu.memory_space<hbm>>) dst(%dma_wait3A_164 : memref<128x128xf32, #tpu.memory_space<vmem>>)
    %scan3A_167 = arith.constant 0 : i32
    %scan3A_168 = arith.constant 128 : i32
    %scan3A_169 = arith.addi %scan3A_167, %scan3A_168 : i32
    %scan3A_170 = arith.constant 1 : i32
    %scan3A_171:8 = scf.for %scan3A_257 = %scan3A_167 to %scan3A_169 step %scan3A_170 iter_args(%scan3A_258 = %scan3A_128#0, %scan3A_259 = %scan3A_128#1, %scan3A_260 = %scan3A_128#2, %scan3A_261 = %scan3A_128#3, %scan3A_262 = %scan3A_128#4, %scan3A_263 = %scan3A_128#5, %scan3A_264 = %scan3A_128#6, %scan3A_265 = %scan3A_128#7) -> (vector<16xf32>, vector<16xf32>, vector<16xf32>, vector<16xf32>, vector<16xf32>, vector<16xf32>, vector<16xf32>, vector<16xf32>)  : i32 {
      %get3A = arith.constant 1 : i32
      %get3A_266 = arith.index_cast %get3A : i32 to index
      %get3A_267 = arith.index_cast %scan3A_257 : i32 to index
      %get3A_268 = arith.constant 0 : index
      %get3A_269 = tpu.vector_load %arg8[%get3A_266, %get3A_267, %get3A_268] {strides = array<i32>} : memref<4x128x128xf32, #tpu.memory_space<vmem>>, vector<1x1x16xf32>,
      %get3A_270 = vector.shape_cast %get3A_269 : vector<1x1x16xf32> to vector<16xf32>
      %get3A_271 = arith.constant 1 : i32
      %get3A_272 = arith.index_cast %get3A_271 : i32 to index
      %get3A_273 = arith.index_cast %scan3A_257 : i32 to index
      %get3A_274 = arith.constant 0 : index
      %get3A_275 = tpu.vector_load %arg7[%get3A_272, %get3A_273, %get3A_274] {strides = array<i32>} : memref<2x128x128xf32, #tpu.memory_space<vmem>>, vector<1x1x16xf32>,
      %get3A_276 = vector.shape_cast %get3A_275 : vector<1x1x16xf32> to vector<16xf32>
      %sub3A = arith.subf %get3A_270, %get3A_276 : vector<16xf32>
      %mul3A_277 = arith.mulf %sub3A, %sub3A : vector<16xf32>
      %add3A_278 = arith.addf %scan3A_258, %mul3A_277 : vector<16xf32>
      %get3A_279 = arith.constant 1 : i32
      %get3A_280 = arith.index_cast %get3A_279 : i32 to index
      %get3A_281 = arith.index_cast %scan3A_257 : i32 to index
      %get3A_282 = arith.constant 16 : index
      %get3A_283 = tpu.vector_load %arg8[%get3A_280, %get3A_281, %get3A_282] {strides = array<i32>} : memref<4x128x128xf32, #tpu.memory_space<vmem>>, vector<1x1x16xf32>,
      %get3A_284 = vector.shape_cast %get3A_283 : vector<1x1x16xf32> to vector<16xf32>
      %get3A_285 = arith.constant 1 : i32
      %get3A_286 = arith.index_cast %get3A_285 : i32 to index
      %get3A_287 = arith.index_cast %scan3A_257 : i32 to index
      %get3A_288 = arith.constant 16 : index
      %get3A_289 = tpu.vector_load %arg7[%get3A_286, %get3A_287, %get3A_288] {strides = array<i32>} : memref<2x128x128xf32, #tpu.memory_space<vmem>>, vector<1x1x16xf32>,
      %get3A_290 = vector.shape_cast %get3A_289 : vector<1x1x16xf32> to vector<16xf32>
      %sub3A_291 = arith.subf %get3A_284, %get3A_290 : vector<16xf32>
      %mul3A_292 = arith.mulf %sub3A_291, %sub3A_291 : vector<16xf32>
      %add3A_293 = arith.addf %scan3A_259, %mul3A_292 : vector<16xf32>
      %get3A_294 = arith.constant 1 : i32
      %get3A_295 = arith.index_cast %get3A_294 : i32 to index
      %get3A_296 = arith.index_cast %scan3A_257 : i32 to index
      %get3A_297 = arith.constant 32 : index
      %get3A_298 = tpu.vector_load %arg8[%get3A_295, %get3A_296, %get3A_297] {strides = array<i32>} : memref<4x128x128xf32, #tpu.memory_space<vmem>>, vector<1x1x16xf32>,
      %get3A_299 = vector.shape_cast %get3A_298 : vector<1x1x16xf32> to vector<16xf32>
      %get3A_300 = arith.constant 1 : i32
      %get3A_301 = arith.index_cast %get3A_300 : i32 to index
      %get3A_302 = arith.index_cast %scan3A_257 : i32 to index
      %get3A_303 = arith.constant 32 : index
      %get3A_304 = tpu.vector_load %arg7[%get3A_301, %get3A_302, %get3A_303] {strides = array<i32>} : memref<2x128x128xf32, #tpu.memory_space<vmem>>, vector<1x1x16xf32>,
      %get3A_305 = vector.shape_cast %get3A_304 : vector<1x1x16xf32> to vector<16xf32>
      %sub3A_306 = arith.subf %get3A_299, %get3A_305 : vector<16xf32>
      %mul3A_307 = arith.mulf %sub3A_306, %sub3A_306 : vector<16xf32>
      %add3A_308 = arith.addf %scan3A_260, %mul3A_307 : vector<16xf32>
      %get3A_309 = arith.constant 1 : i32
      %get3A_310 = arith.index_cast %get3A_309 : i32 to index
      %get3A_311 = arith.index_cast %scan3A_257 : i32 to index
      %get3A_312 = arith.constant 48 : index
      %get3A_313 = tpu.vector_load %arg8[%get3A_310, %get3A_311, %get3A_312] {strides = array<i32>} : memref<4x128x128xf32, #tpu.memory_space<vmem>>, vector<1x1x16xf32>,
      %get3A_314 = vector.shape_cast %get3A_313 : vector<1x1x16xf32> to vector<16xf32>
      %get3A_315 = arith.constant 1 : i32
      %get3A_316 = arith.index_cast %get3A_315 : i32 to index
      %get3A_317 = arith.index_cast %scan3A_257 : i32 to index
      %get3A_318 = arith.constant 48 : index
      %get3A_319 = tpu.vector_load %arg7[%get3A_316, %get3A_317, %get3A_318] {strides = array<i32>} : memref<2x128x128xf32, #tpu.memory_space<vmem>>, vector<1x1x16xf32>,
      %get3A_320 = vector.shape_cast %get3A_319 : vector<1x1x16xf32> to vector<16xf32>
      %sub3A_321 = arith.subf %get3A_314, %get3A_320 : vector<16xf32>
      %mul3A_322 = arith.mulf %sub3A_321, %sub3A_321 : vector<16xf32>
      %add3A_323 = arith.addf %scan3A_261, %mul3A_322 : vector<16xf32>
      %get3A_324 = arith.constant 1 : i32
      %get3A_325 = arith.index_cast %get3A_324 : i32 to index
      %get3A_326 = arith.index_cast %scan3A_257 : i32 to index
      %get3A_327 = arith.constant 64 : index
      %get3A_328 = tpu.vector_load %arg8[%get3A_325, %get3A_326, %get3A_327] {strides = array<i32>} : memref<4x128x128xf32, #tpu.memory_space<vmem>>, vector<1x1x16xf32>,
      %get3A_329 = vector.shape_cast %get3A_328 : vector<1x1x16xf32> to vector<16xf32>
      %get3A_330 = arith.constant 1 : i32
      %get3A_331 = arith.index_cast %get3A_330 : i32 to index
      %get3A_332 = arith.index_cast %scan3A_257 : i32 to index
      %get3A_333 = arith.constant 64 : index
      %get3A_334 = tpu.vector_load %arg7[%get3A_331, %get3A_332, %get3A_333] {strides = array<i32>} : memref<2x128x128xf32, #tpu.memory_space<vmem>>, vector<1x1x16xf32>,
      %get3A_335 = vector.shape_cast %get3A_334 : vector<1x1x16xf32> to vector<16xf32>
      %sub3A_336 = arith.subf %get3A_329, %get3A_335 : vector<16xf32>
      %mul3A_337 = arith.mulf %sub3A_336, %sub3A_336 : vector<16xf32>
      %add3A_338 = arith.addf %scan3A_262, %mul3A_337 : vector<16xf32>
      %get3A_339 = arith.constant 1 : i32
      %get3A_340 = arith.index_cast %get3A_339 : i32 to index
      %get3A_341 = arith.index_cast %scan3A_257 : i32 to index
      %get3A_342 = arith.constant 80 : index
      %get3A_343 = tpu.vector_load %arg8[%get3A_340, %get3A_341, %get3A_342] {strides = array<i32>} : memref<4x128x128xf32, #tpu.memory_space<vmem>>, vector<1x1x16xf32>,
      %get3A_344 = vector.shape_cast %get3A_343 : vector<1x1x16xf32> to vector<16xf32>
      %get3A_345 = arith.constant 1 : i32
      %get3A_346 = arith.index_cast %get3A_345 : i32 to index
      %get3A_347 = arith.index_cast %scan3A_257 : i32 to index
      %get3A_348 = arith.constant 80 : index
      %get3A_349 = tpu.vector_load %arg7[%get3A_346, %get3A_347, %get3A_348] {strides = array<i32>} : memref<2x128x128xf32, #tpu.memory_space<vmem>>, vector<1x1x16xf32>,
      %get3A_350 = vector.shape_cast %get3A_349 : vector<1x1x16xf32> to vector<16xf32>
      %sub3A_351 = arith.subf %get3A_344, %get3A_350 : vector<16xf32>
      %mul3A_352 = arith.mulf %sub3A_351, %sub3A_351 : vector<16xf32>
      %add3A_353 = arith.addf %scan3A_263, %mul3A_352 : vector<16xf32>
      %get3A_354 = arith.constant 1 : i32
      %get3A_355 = arith.index_cast %get3A_354 : i32 to index
      %get3A_356 = arith.index_cast %scan3A_257 : i32 to index
      %get3A_357 = arith.constant 96 : index
      %get3A_358 = tpu.vector_load %arg8[%get3A_355, %get3A_356, %get3A_357] {strides = array<i32>} : memref<4x128x128xf32, #tpu.memory_space<vmem>>, vector<1x1x16xf32>,
      %get3A_359 = vector.shape_cast %get3A_358 : vector<1x1x16xf32> to vector<16xf32>
      %get3A_360 = arith.constant 1 : i32
      %get3A_361 = arith.index_cast %get3A_360 : i32 to index
      %get3A_362 = arith.index_cast %scan3A_257 : i32 to index
      %get3A_363 = arith.constant 96 : index
      %get3A_364 = tpu.vector_load %arg7[%get3A_361, %get3A_362, %get3A_363] {strides = array<i32>} : memref<2x128x128xf32, #tpu.memory_space<vmem>>, vector<1x1x16xf32>,
      %get3A_365 = vector.shape_cast %get3A_364 : vector<1x1x16xf32> to vector<16xf32>
      %sub3A_366 = arith.subf %get3A_359, %get3A_365 : vector<16xf32>
      %mul3A_367 = arith.mulf %sub3A_366, %sub3A_366 : vector<16xf32>
      %add3A_368 = arith.addf %scan3A_264, %mul3A_367 : vector<16xf32>
      %get3A_369 = arith.constant 1 : i32
      %get3A_370 = arith.index_cast %get3A_369 : i32 to index
      %get3A_371 = arith.index_cast %scan3A_257 : i32 to index
      %get3A_372 = arith.constant 112 : index
      %get3A_373 = tpu.vector_load %arg8[%get3A_370, %get3A_371, %get3A_372] {strides = array<i32>} : memref<4x128x128xf32, #tpu.memory_space<vmem>>, vector<1x1x16xf32>,
      %get3A_374 = vector.shape_cast %get3A_373 : vector<1x1x16xf32> to vector<16xf32>
      %get3A_375 = arith.constant 1 : i32
      %get3A_376 = arith.index_cast %get3A_375 : i32 to index
      %get3A_377 = arith.index_cast %scan3A_257 : i32 to index
      %get3A_378 = arith.constant 112 : index
      %get3A_379 = tpu.vector_load %arg7[%get3A_376, %get3A_377, %get3A_378] {strides = array<i32>} : memref<2x128x128xf32, #tpu.memory_space<vmem>>, vector<1x1x16xf32>,
      %get3A_380 = vector.shape_cast %get3A_379 : vector<1x1x16xf32> to vector<16xf32>
      %sub3A_381 = arith.subf %get3A_374, %get3A_380 : vector<16xf32>
      %mul3A_382 = arith.mulf %sub3A_381, %sub3A_381 : vector<16xf32>
      %add3A_383 = arith.addf %scan3A_265, %mul3A_382 : vector<16xf32>
      scf.yield %add3A_278, %add3A_293, %add3A_308, %add3A_323, %add3A_338, %add3A_353, %add3A_368, %add3A_383 : vector<16xf32>, vector<16xf32>, vector<16xf32>, vector<16xf32>, vector<16xf32>, vector<16xf32>, vector<16xf32>, vector<16xf32>
    }
    %scan3A_172 = arith.constant 128 : i32
    %dma_wait3A_173 = arith.constant 2 : i32
    %dma_wait3A_174 = arith.constant 0 : i32
    %dma_wait3A_175 = arith.constant 0 : i32
    %dma_wait3A_176 = arith.constant 0 : i32
    %dma_wait3A_177 = tpu.memref_slice %arg7[%dma_wait3A_174, %dma_wait3A_175, %dma_wait3A_176] : memref<2x128x128xf32, #tpu.memory_space<vmem>> -> memref<1x128x128xf32, #tpu.memory_space<vmem>>
    %dma_wait3A_178 = tpu.memref_squeeze %dma_wait3A_177 : memref<1x128x128xf32, #tpu.memory_space<vmem>> -> memref<128x128xf32, #tpu.memory_space<vmem>>
    %dma_wait3A_179 = arith.constant 0 : i32
    %dma_wait3A_180 = tpu.memref_slice %arg6[%dma_wait3A_173, %dma_wait3A_179] : memref<4x128xi32, #tpu.memory_space<vmem>> -> memref<1x128xi32, #tpu.memory_space<vmem>>
    %dma_wait3A_181 = tpu.memref_squeeze %dma_wait3A_180 : memref<1x128xi32, #tpu.memory_space<vmem>> -> memref<128xi32, #tpu.memory_space<vmem>>
    %dma_wait3A_182 = arith.constant 0 : i32
    %dma_wait3A_183 = arith.constant 0 : i32
    %dma_wait3A_184 = tpu.memref_slice %arg4[%dma_wait3A_182, %dma_wait3A_183] : memref<1000x128xf32, #tpu.memory_space<hbm>> -> memref<1000x128xf32, #tpu.memory_space<hbm>>
    tpu.wait_indirect_dma semaphore(%arg11 : memref<!tpu.dma_semaphore, #tpu.memory_space<semaphore_mem>>) src(%dma_wait3A_184 : memref<1000x128xf32, #tpu.memory_space<hbm>>) dst(%dma_wait3A_178 : memref<128x128xf32, #tpu.memory_space<vmem>>)
    %dma_start3A_185 = arith.constant 3 : i32
    %dma_start3A_186 = arith.constant 1 : i32
    %dma_start3A_187 = arith.constant 0 : i32
    %dma_start3A_188 = arith.constant 0 : i32
    %dma_start3A_189 = tpu.memref_slice %arg7[%dma_start3A_186, %dma_start3A_187, %dma_start3A_188] : memref<2x128x128xf32, #tpu.memory_space<vmem>> -> memref<1x128x128xf32, #tpu.memory_space<vmem>>
    %dma_start3A_190 = tpu.memref_squeeze %dma_start3A_189 : memref<1x128x128xf32, #tpu.memory_space<vmem>> -> memref<128x128xf32, #tpu.memory_space<vmem>>
    %dma_start3A_191 = arith.constant 0 : i32
    %dma_start3A_192 = tpu.memref_slice %arg6[%dma_start3A_185, %dma_start3A_191] : memref<4x128xi32, #tpu.memory_space<vmem>> -> memref<1x128xi32, #tpu.memory_space<vmem>>
    %dma_start3A_193 = tpu.memref_squeeze %dma_start3A_192 : memref<1x128xi32, #tpu.memory_space<vmem>> -> memref<128xi32, #tpu.memory_space<vmem>>
    %dma_start3A_194 = arith.constant 0 : i32
    %dma_start3A_195 = arith.constant 0 : i32
    %dma_start3A_196 = tpu.memref_slice %arg4[%dma_start3A_194, %dma_start3A_195] : memref<1000x128xf32, #tpu.memory_space<hbm>> -> memref<1000x128xf32, #tpu.memory_space<hbm>>
    tpu.enqueue_indirect_dma source(%dma_start3A_196 : memref<1000x128xf32, #tpu.memory_space<hbm>>) target(%dma_start3A_190 : memref<128x128xf32, #tpu.memory_space<vmem>>) offsets(%dma_start3A_193 : memref<128xi32, #tpu.memory_space<vmem>>) semaphore(%arg11 : memref<!tpu.dma_semaphore, #tpu.memory_space<semaphore_mem>>)
    %dma_wait3A_197 = arith.constant 2 : i32
    %dma_wait3A_198 = arith.constant 0 : i32
    %dma_wait3A_199 = arith.constant 0 : i32
    %dma_wait3A_200 = tpu.memref_slice %arg8[%dma_wait3A_197, %dma_wait3A_198, %dma_wait3A_199] : memref<4x128x128xf32, #tpu.memory_space<vmem>> -> memref<1x128x128xf32, #tpu.memory_space<vmem>>
    %dma_wait3A_201 = tpu.memref_squeeze %dma_wait3A_200 : memref<1x128x128xf32, #tpu.memory_space<vmem>> -> memref<128x128xf32, #tpu.memory_space<vmem>>
    %dma_wait3A_202 = arith.constant 0 : i32
    %dma_wait3A_203 = tpu.memref_slice %arg2[%add3A_33, %dma_wait3A_202] : memref<16384x128xf32, #tpu.memory_space<hbm>> -> memref<128x128xf32, #tpu.memory_space<hbm>>
    %dma_wait3A_204 = arith.constant 0 : i32
    %dma_wait3A_205 = arith.constant 0 : i32
    %dma_wait3A_206 = tpu.memref_slice %arg8[%dma_wait3A_197, %dma_wait3A_204, %dma_wait3A_205] : memref<4x128x128xf32, #tpu.memory_space<vmem>> -> memref<1x128x128xf32, #tpu.memory_space<vmem>>
    %dma_wait3A_207 = tpu.memref_squeeze %dma_wait3A_206 : memref<1x128x128xf32, #tpu.memory_space<vmem>> -> memref<128x128xf32, #tpu.memory_space<vmem>>
    %dma_wait3A_208 = arith.constant 0 : i32
    %dma_wait3A_209 = tpu.memref_slice %arg2[%add3A_33, %dma_wait3A_208] : memref<16384x128xf32, #tpu.memory_space<hbm>> -> memref<128x128xf32, #tpu.memory_space<hbm>>
    tpu.wait_dma2 semaphore(%arg10 : memref<!tpu.dma_semaphore, #tpu.memory_space<semaphore_mem>>) src(%dma_wait3A_209 : memref<128x128xf32, #tpu.memory_space<hbm>>) dst(%dma_wait3A_207 : memref<128x128xf32, #tpu.memory_space<vmem>>)
    %scan3A_210 = arith.constant 0 : i32
    %scan3A_211 = arith.constant 128 : i32
    %scan3A_212 = arith.addi %scan3A_210, %scan3A_211 : i32
    %scan3A_213 = arith.constant 1 : i32
    %scan3A_214:8 = scf.for %scan3A_257 = %scan3A_210 to %scan3A_212 step %scan3A_213 iter_args(%scan3A_258 = %scan3A_171#0, %scan3A_259 = %scan3A_171#1, %scan3A_260 = %scan3A_171#2, %scan3A_261 = %scan3A_171#3, %scan3A_262 = %scan3A_171#4, %scan3A_263 = %scan3A_171#5, %scan3A_264 = %scan3A_171#6, %scan3A_265 = %scan3A_171#7) -> (vector<16xf32>, vector<16xf32>, vector<16xf32>, vector<16xf32>, vector<16xf32>, vector<16xf32>, vector<16xf32>, vector<16xf32>)  : i32 {
      %get3A = arith.constant 2 : i32
      %get3A_266 = arith.index_cast %get3A : i32 to index
      %get3A_267 = arith.index_cast %scan3A_257 : i32 to index
      %get3A_268 = arith.constant 0 : index
      %get3A_269 = tpu.vector_load %arg8[%get3A_266, %get3A_267, %get3A_268] {strides = array<i32>} : memref<4x128x128xf32, #tpu.memory_space<vmem>>, vector<1x1x16xf32>,
      %get3A_270 = vector.shape_cast %get3A_269 : vector<1x1x16xf32> to vector<16xf32>
      %get3A_271 = arith.constant 0 : i32
      %get3A_272 = arith.index_cast %get3A_271 : i32 to index
      %get3A_273 = arith.index_cast %scan3A_257 : i32 to index
      %get3A_274 = arith.constant 0 : index
      %get3A_275 = tpu.vector_load %arg7[%get3A_272, %get3A_273, %get3A_274] {strides = array<i32>} : memref<2x128x128xf32, #tpu.memory_space<vmem>>, vector<1x1x16xf32>,
      %get3A_276 = vector.shape_cast %get3A_275 : vector<1x1x16xf32> to vector<16xf32>
      %sub3A = arith.subf %get3A_270, %get3A_276 : vector<16xf32>
      %mul3A_277 = arith.mulf %sub3A, %sub3A : vector<16xf32>
      %add3A_278 = arith.addf %scan3A_258, %mul3A_277 : vector<16xf32>
      %get3A_279 = arith.constant 2 : i32
      %get3A_280 = arith.index_cast %get3A_279 : i32 to index
      %get3A_281 = arith.index_cast %scan3A_257 : i32 to index
      %get3A_282 = arith.constant 16 : index
      %get3A_283 = tpu.vector_load %arg8[%get3A_280, %get3A_281, %get3A_282] {strides = array<i32>} : memref<4x128x128xf32, #tpu.memory_space<vmem>>, vector<1x1x16xf32>,
      %get3A_284 = vector.shape_cast %get3A_283 : vector<1x1x16xf32> to vector<16xf32>
      %get3A_285 = arith.constant 0 : i32
      %get3A_286 = arith.index_cast %get3A_285 : i32 to index
      %get3A_287 = arith.index_cast %scan3A_257 : i32 to index
      %get3A_288 = arith.constant 16 : index
      %get3A_289 = tpu.vector_load %arg7[%get3A_286, %get3A_287, %get3A_288] {strides = array<i32>} : memref<2x128x128xf32, #tpu.memory_space<vmem>>, vector<1x1x16xf32>,
      %get3A_290 = vector.shape_cast %get3A_289 : vector<1x1x16xf32> to vector<16xf32>
      %sub3A_291 = arith.subf %get3A_284, %get3A_290 : vector<16xf32>
      %mul3A_292 = arith.mulf %sub3A_291, %sub3A_291 : vector<16xf32>
      %add3A_293 = arith.addf %scan3A_259, %mul3A_292 : vector<16xf32>
      %get3A_294 = arith.constant 2 : i32
      %get3A_295 = arith.index_cast %get3A_294 : i32 to index
      %get3A_296 = arith.index_cast %scan3A_257 : i32 to index
      %get3A_297 = arith.constant 32 : index
      %get3A_298 = tpu.vector_load %arg8[%get3A_295, %get3A_296, %get3A_297] {strides = array<i32>} : memref<4x128x128xf32, #tpu.memory_space<vmem>>, vector<1x1x16xf32>,
      %get3A_299 = vector.shape_cast %get3A_298 : vector<1x1x16xf32> to vector<16xf32>
      %get3A_300 = arith.constant 0 : i32
      %get3A_301 = arith.index_cast %get3A_300 : i32 to index
      %get3A_302 = arith.index_cast %scan3A_257 : i32 to index
      %get3A_303 = arith.constant 32 : index
      %get3A_304 = tpu.vector_load %arg7[%get3A_301, %get3A_302, %get3A_303] {strides = array<i32>} : memref<2x128x128xf32, #tpu.memory_space<vmem>>, vector<1x1x16xf32>,
      %get3A_305 = vector.shape_cast %get3A_304 : vector<1x1x16xf32> to vector<16xf32>
      %sub3A_306 = arith.subf %get3A_299, %get3A_305 : vector<16xf32>
      %mul3A_307 = arith.mulf %sub3A_306, %sub3A_306 : vector<16xf32>
      %add3A_308 = arith.addf %scan3A_260, %mul3A_307 : vector<16xf32>
      %get3A_309 = arith.constant 2 : i32
      %get3A_310 = arith.index_cast %get3A_309 : i32 to index
      %get3A_311 = arith.index_cast %scan3A_257 : i32 to index
      %get3A_312 = arith.constant 48 : index
      %get3A_313 = tpu.vector_load %arg8[%get3A_310, %get3A_311, %get3A_312] {strides = array<i32>} : memref<4x128x128xf32, #tpu.memory_space<vmem>>, vector<1x1x16xf32>,
      %get3A_314 = vector.shape_cast %get3A_313 : vector<1x1x16xf32> to vector<16xf32>
      %get3A_315 = arith.constant 0 : i32
      %get3A_316 = arith.index_cast %get3A_315 : i32 to index
      %get3A_317 = arith.index_cast %scan3A_257 : i32 to index
      %get3A_318 = arith.constant 48 : index
      %get3A_319 = tpu.vector_load %arg7[%get3A_316, %get3A_317, %get3A_318] {strides = array<i32>} : memref<2x128x128xf32, #tpu.memory_space<vmem>>, vector<1x1x16xf32>,
      %get3A_320 = vector.shape_cast %get3A_319 : vector<1x1x16xf32> to vector<16xf32>
      %sub3A_321 = arith.subf %get3A_314, %get3A_320 : vector<16xf32>
      %mul3A_322 = arith.mulf %sub3A_321, %sub3A_321 : vector<16xf32>
      %add3A_323 = arith.addf %scan3A_261, %mul3A_322 : vector<16xf32>
      %get3A_324 = arith.constant 2 : i32
      %get3A_325 = arith.index_cast %get3A_324 : i32 to index
      %get3A_326 = arith.index_cast %scan3A_257 : i32 to index
      %get3A_327 = arith.constant 64 : index
      %get3A_328 = tpu.vector_load %arg8[%get3A_325, %get3A_326, %get3A_327] {strides = array<i32>} : memref<4x128x128xf32, #tpu.memory_space<vmem>>, vector<1x1x16xf32>,
      %get3A_329 = vector.shape_cast %get3A_328 : vector<1x1x16xf32> to vector<16xf32>
      %get3A_330 = arith.constant 0 : i32
      %get3A_331 = arith.index_cast %get3A_330 : i32 to index
      %get3A_332 = arith.index_cast %scan3A_257 : i32 to index
      %get3A_333 = arith.constant 64 : index
      %get3A_334 = tpu.vector_load %arg7[%get3A_331, %get3A_332, %get3A_333] {strides = array<i32>} : memref<2x128x128xf32, #tpu.memory_space<vmem>>, vector<1x1x16xf32>,
      %get3A_335 = vector.shape_cast %get3A_334 : vector<1x1x16xf32> to vector<16xf32>
      %sub3A_336 = arith.subf %get3A_329, %get3A_335 : vector<16xf32>
      %mul3A_337 = arith.mulf %sub3A_336, %sub3A_336 : vector<16xf32>
      %add3A_338 = arith.addf %scan3A_262, %mul3A_337 : vector<16xf32>
      %get3A_339 = arith.constant 2 : i32
      %get3A_340 = arith.index_cast %get3A_339 : i32 to index
      %get3A_341 = arith.index_cast %scan3A_257 : i32 to index
      %get3A_342 = arith.constant 80 : index
      %get3A_343 = tpu.vector_load %arg8[%get3A_340, %get3A_341, %get3A_342] {strides = array<i32>} : memref<4x128x128xf32, #tpu.memory_space<vmem>>, vector<1x1x16xf32>,
      %get3A_344 = vector.shape_cast %get3A_343 : vector<1x1x16xf32> to vector<16xf32>
      %get3A_345 = arith.constant 0 : i32
      %get3A_346 = arith.index_cast %get3A_345 : i32 to index
      %get3A_347 = arith.index_cast %scan3A_257 : i32 to index
      %get3A_348 = arith.constant 80 : index
      %get3A_349 = tpu.vector_load %arg7[%get3A_346, %get3A_347, %get3A_348] {strides = array<i32>} : memref<2x128x128xf32, #tpu.memory_space<vmem>>, vector<1x1x16xf32>,
      %get3A_350 = vector.shape_cast %get3A_349 : vector<1x1x16xf32> to vector<16xf32>
      %sub3A_351 = arith.subf %get3A_344, %get3A_350 : vector<16xf32>
      %mul3A_352 = arith.mulf %sub3A_351, %sub3A_351 : vector<16xf32>
      %add3A_353 = arith.addf %scan3A_263, %mul3A_352 : vector<16xf32>
      %get3A_354 = arith.constant 2 : i32
      %get3A_355 = arith.index_cast %get3A_354 : i32 to index
      %get3A_356 = arith.index_cast %scan3A_257 : i32 to index
      %get3A_357 = arith.constant 96 : index
      %get3A_358 = tpu.vector_load %arg8[%get3A_355, %get3A_356, %get3A_357] {strides = array<i32>} : memref<4x128x128xf32, #tpu.memory_space<vmem>>, vector<1x1x16xf32>,
      %get3A_359 = vector.shape_cast %get3A_358 : vector<1x1x16xf32> to vector<16xf32>
      %get3A_360 = arith.constant 0 : i32
      %get3A_361 = arith.index_cast %get3A_360 : i32 to index
      %get3A_362 = arith.index_cast %scan3A_257 : i32 to index
      %get3A_363 = arith.constant 96 : index
      %get3A_364 = tpu.vector_load %arg7[%get3A_361, %get3A_362, %get3A_363] {strides = array<i32>} : memref<2x128x128xf32, #tpu.memory_space<vmem>>, vector<1x1x16xf32>,
      %get3A_365 = vector.shape_cast %get3A_364 : vector<1x1x16xf32> to vector<16xf32>
      %sub3A_366 = arith.subf %get3A_359, %get3A_365 : vector<16xf32>
      %mul3A_367 = arith.mulf %sub3A_366, %sub3A_366 : vector<16xf32>
      %add3A_368 = arith.addf %scan3A_264, %mul3A_367 : vector<16xf32>
      %get3A_369 = arith.constant 2 : i32
      %get3A_370 = arith.index_cast %get3A_369 : i32 to index
      %get3A_371 = arith.index_cast %scan3A_257 : i32 to index
      %get3A_372 = arith.constant 112 : index
      %get3A_373 = tpu.vector_load %arg8[%get3A_370, %get3A_371, %get3A_372] {strides = array<i32>} : memref<4x128x128xf32, #tpu.memory_space<vmem>>, vector<1x1x16xf32>,
      %get3A_374 = vector.shape_cast %get3A_373 : vector<1x1x16xf32> to vector<16xf32>
      %get3A_375 = arith.constant 0 : i32
      %get3A_376 = arith.index_cast %get3A_375 : i32 to index
      %get3A_377 = arith.index_cast %scan3A_257 : i32 to index
      %get3A_378 = arith.constant 112 : index
      %get3A_379 = tpu.vector_load %arg7[%get3A_376, %get3A_377, %get3A_378] {strides = array<i32>} : memref<2x128x128xf32, #tpu.memory_space<vmem>>, vector<1x1x16xf32>,
      %get3A_380 = vector.shape_cast %get3A_379 : vector<1x1x16xf32> to vector<16xf32>
      %sub3A_381 = arith.subf %get3A_374, %get3A_380 : vector<16xf32>
      %mul3A_382 = arith.mulf %sub3A_381, %sub3A_381 : vector<16xf32>
      %add3A_383 = arith.addf %scan3A_265, %mul3A_382 : vector<16xf32>
      scf.yield %add3A_278, %add3A_293, %add3A_308, %add3A_323, %add3A_338, %add3A_353, %add3A_368, %add3A_383 : vector<16xf32>, vector<16xf32>, vector<16xf32>, vector<16xf32>, vector<16xf32>, vector<16xf32>, vector<16xf32>, vector<16xf32>
    }
    %scan3A_215 = arith.constant 128 : i32
    %dma_wait3A_216 = arith.constant 3 : i32
    %dma_wait3A_217 = arith.constant 1 : i32
    %dma_wait3A_218 = arith.constant 0 : i32
    %dma_wait3A_219 = arith.constant 0 : i32
    %dma_wait3A_220 = tpu.memref_slice %arg7[%dma_wait3A_217, %dma_wait3A_218, %dma_wait3A_219] : memref<2x128x128xf32, #tpu.memory_space<vmem>> -> memref<1x128x128xf32, #tpu.memory_space<vmem>>
    %dma_wait3A_221 = tpu.memref_squeeze %dma_wait3A_220 : memref<1x128x128xf32, #tpu.memory_space<vmem>> -> memref<128x128xf32, #tpu.memory_space<vmem>>
    %dma_wait3A_222 = arith.constant 0 : i32
    %dma_wait3A_223 = tpu.memref_slice %arg6[%dma_wait3A_216, %dma_wait3A_222] : memref<4x128xi32, #tpu.memory_space<vmem>> -> memref<1x128xi32, #tpu.memory_space<vmem>>
    %dma_wait3A_224 = tpu.memref_squeeze %dma_wait3A_223 : memref<1x128xi32, #tpu.memory_space<vmem>> -> memref<128xi32, #tpu.memory_space<vmem>>
    %dma_wait3A_225 = arith.constant 0 : i32
    %dma_wait3A_226 = arith.constant 0 : i32
    %dma_wait3A_227 = tpu.memref_slice %arg4[%dma_wait3A_225, %dma_wait3A_226] : memref<1000x128xf32, #tpu.memory_space<hbm>> -> memref<1000x128xf32, #tpu.memory_space<hbm>>
    tpu.wait_indirect_dma semaphore(%arg11 : memref<!tpu.dma_semaphore, #tpu.memory_space<semaphore_mem>>) src(%dma_wait3A_227 : memref<1000x128xf32, #tpu.memory_space<hbm>>) dst(%dma_wait3A_221 : memref<128x128xf32, #tpu.memory_space<vmem>>)
    %dma_wait3A_228 = arith.constant 3 : i32
    %dma_wait3A_229 = arith.constant 0 : i32
    %dma_wait3A_230 = arith.constant 0 : i32
    %dma_wait3A_231 = tpu.memref_slice %arg8[%dma_wait3A_228, %dma_wait3A_229, %dma_wait3A_230] : memref<4x128x128xf32, #tpu.memory_space<vmem>> -> memref<1x128x128xf32, #tpu.memory_space<vmem>>
    %dma_wait3A_232 = tpu.memref_squeeze %dma_wait3A_231 : memref<1x128x128xf32, #tpu.memory_space<vmem>> -> memref<128x128xf32, #tpu.memory_space<vmem>>
    %dma_wait3A_233 = arith.constant 0 : i32
    %dma_wait3A_234 = tpu.memref_slice %arg2[%add3A_48, %dma_wait3A_233] : memref<16384x128xf32, #tpu.memory_space<hbm>> -> memref<128x128xf32, #tpu.memory_space<hbm>>
    %dma_wait3A_235 = arith.constant 0 : i32
    %dma_wait3A_236 = arith.constant 0 : i32
    %dma_wait3A_237 = tpu.memref_slice %arg8[%dma_wait3A_228, %dma_wait3A_235, %dma_wait3A_236] : memref<4x128x128xf32, #tpu.memory_space<vmem>> -> memref<1x128x128xf32, #tpu.memory_space<vmem>>
    %dma_wait3A_238 = tpu.memref_squeeze %dma_wait3A_237 : memref<1x128x128xf32, #tpu.memory_space<vmem>> -> memref<128x128xf32, #tpu.memory_space<vmem>>
    %dma_wait3A_239 = arith.constant 0 : i32
    %dma_wait3A_240 = tpu.memref_slice %arg2[%add3A_48, %dma_wait3A_239] : memref<16384x128xf32, #tpu.memory_space<hbm>> -> memref<128x128xf32, #tpu.memory_space<hbm>>
    tpu.wait_dma2 semaphore(%arg10 : memref<!tpu.dma_semaphore, #tpu.memory_space<semaphore_mem>>) src(%dma_wait3A_240 : memref<128x128xf32, #tpu.memory_space<hbm>>) dst(%dma_wait3A_238 : memref<128x128xf32, #tpu.memory_space<vmem>>)
    %scan3A_241 = arith.constant 0 : i32
    %scan3A_242 = arith.constant 128 : i32
    %scan3A_243 = arith.addi %scan3A_241, %scan3A_242 : i32
    %scan3A_244 = arith.constant 1 : i32
    %scan3A_245:8 = scf.for %scan3A_257 = %scan3A_241 to %scan3A_243 step %scan3A_244 iter_args(%scan3A_258 = %scan3A_214#0, %scan3A_259 = %scan3A_214#1, %scan3A_260 = %scan3A_214#2, %scan3A_261 = %scan3A_214#3, %scan3A_262 = %scan3A_214#4, %scan3A_263 = %scan3A_214#5, %scan3A_264 = %scan3A_214#6, %scan3A_265 = %scan3A_214#7) -> (vector<16xf32>, vector<16xf32>, vector<16xf32>, vector<16xf32>, vector<16xf32>, vector<16xf32>, vector<16xf32>, vector<16xf32>)  : i32 {
      %get3A = arith.constant 3 : i32
      %get3A_266 = arith.index_cast %get3A : i32 to index
      %get3A_267 = arith.index_cast %scan3A_257 : i32 to index
      %get3A_268 = arith.constant 0 : index
      %get3A_269 = tpu.vector_load %arg8[%get3A_266, %get3A_267, %get3A_268] {strides = array<i32>} : memref<4x128x128xf32, #tpu.memory_space<vmem>>, vector<1x1x16xf32>,
      %get3A_270 = vector.shape_cast %get3A_269 : vector<1x1x16xf32> to vector<16xf32>
      %get3A_271 = arith.constant 1 : i32
      %get3A_272 = arith.index_cast %get3A_271 : i32 to index
      %get3A_273 = arith.index_cast %scan3A_257 : i32 to index
      %get3A_274 = arith.constant 0 : index
      %get3A_275 = tpu.vector_load %arg7[%get3A_272, %get3A_273, %get3A_274] {strides = array<i32>} : memref<2x128x128xf32, #tpu.memory_space<vmem>>, vector<1x1x16xf32>,
      %get3A_276 = vector.shape_cast %get3A_275 : vector<1x1x16xf32> to vector<16xf32>
      %sub3A = arith.subf %get3A_270, %get3A_276 : vector<16xf32>
      %mul3A_277 = arith.mulf %sub3A, %sub3A : vector<16xf32>
      %add3A_278 = arith.addf %scan3A_258, %mul3A_277 : vector<16xf32>
      %get3A_279 = arith.constant 3 : i32
      %get3A_280 = arith.index_cast %get3A_279 : i32 to index
      %get3A_281 = arith.index_cast %scan3A_257 : i32 to index
      %get3A_282 = arith.constant 16 : index
      %get3A_283 = tpu.vector_load %arg8[%get3A_280, %get3A_281, %get3A_282] {strides = array<i32>} : memref<4x128x128xf32, #tpu.memory_space<vmem>>, vector<1x1x16xf32>,
      %get3A_284 = vector.shape_cast %get3A_283 : vector<1x1x16xf32> to vector<16xf32>
      %get3A_285 = arith.constant 1 : i32
      %get3A_286 = arith.index_cast %get3A_285 : i32 to index
      %get3A_287 = arith.index_cast %scan3A_257 : i32 to index
      %get3A_288 = arith.constant 16 : index
      %get3A_289 = tpu.vector_load %arg7[%get3A_286, %get3A_287, %get3A_288] {strides = array<i32>} : memref<2x128x128xf32, #tpu.memory_space<vmem>>, vector<1x1x16xf32>,
      %get3A_290 = vector.shape_cast %get3A_289 : vector<1x1x16xf32> to vector<16xf32>
      %sub3A_291 = arith.subf %get3A_284, %get3A_290 : vector<16xf32>
      %mul3A_292 = arith.mulf %sub3A_291, %sub3A_291 : vector<16xf32>
      %add3A_293 = arith.addf %scan3A_259, %mul3A_292 : vector<16xf32>
      %get3A_294 = arith.constant 3 : i32
      %get3A_295 = arith.index_cast %get3A_294 : i32 to index
      %get3A_296 = arith.index_cast %scan3A_257 : i32 to index
      %get3A_297 = arith.constant 32 : index
      %get3A_298 = tpu.vector_load %arg8[%get3A_295, %get3A_296, %get3A_297] {strides = array<i32>} : memref<4x128x128xf32, #tpu.memory_space<vmem>>, vector<1x1x16xf32>,
      %get3A_299 = vector.shape_cast %get3A_298 : vector<1x1x16xf32> to vector<16xf32>
      %get3A_300 = arith.constant 1 : i32
      %get3A_301 = arith.index_cast %get3A_300 : i32 to index
      %get3A_302 = arith.index_cast %scan3A_257 : i32 to index
      %get3A_303 = arith.constant 32 : index
      %get3A_304 = tpu.vector_load %arg7[%get3A_301, %get3A_302, %get3A_303] {strides = array<i32>} : memref<2x128x128xf32, #tpu.memory_space<vmem>>, vector<1x1x16xf32>,
      %get3A_305 = vector.shape_cast %get3A_304 : vector<1x1x16xf32> to vector<16xf32>
      %sub3A_306 = arith.subf %get3A_299, %get3A_305 : vector<16xf32>
      %mul3A_307 = arith.mulf %sub3A_306, %sub3A_306 : vector<16xf32>
      %add3A_308 = arith.addf %scan3A_260, %mul3A_307 : vector<16xf32>
      %get3A_309 = arith.constant 3 : i32
      %get3A_310 = arith.index_cast %get3A_309 : i32 to index
      %get3A_311 = arith.index_cast %scan3A_257 : i32 to index
      %get3A_312 = arith.constant 48 : index
      %get3A_313 = tpu.vector_load %arg8[%get3A_310, %get3A_311, %get3A_312] {strides = array<i32>} : memref<4x128x128xf32, #tpu.memory_space<vmem>>, vector<1x1x16xf32>,
      %get3A_314 = vector.shape_cast %get3A_313 : vector<1x1x16xf32> to vector<16xf32>
      %get3A_315 = arith.constant 1 : i32
      %get3A_316 = arith.index_cast %get3A_315 : i32 to index
      %get3A_317 = arith.index_cast %scan3A_257 : i32 to index
      %get3A_318 = arith.constant 48 : index
      %get3A_319 = tpu.vector_load %arg7[%get3A_316, %get3A_317, %get3A_318] {strides = array<i32>} : memref<2x128x128xf32, #tpu.memory_space<vmem>>, vector<1x1x16xf32>,
      %get3A_320 = vector.shape_cast %get3A_319 : vector<1x1x16xf32> to vector<16xf32>
      %sub3A_321 = arith.subf %get3A_314, %get3A_320 : vector<16xf32>
      %mul3A_322 = arith.mulf %sub3A_321, %sub3A_321 : vector<16xf32>
      %add3A_323 = arith.addf %scan3A_261, %mul3A_322 : vector<16xf32>
      %get3A_324 = arith.constant 3 : i32
      %get3A_325 = arith.index_cast %get3A_324 : i32 to index
      %get3A_326 = arith.index_cast %scan3A_257 : i32 to index
      %get3A_327 = arith.constant 64 : index
      %get3A_328 = tpu.vector_load %arg8[%get3A_325, %get3A_326, %get3A_327] {strides = array<i32>} : memref<4x128x128xf32, #tpu.memory_space<vmem>>, vector<1x1x16xf32>,
      %get3A_329 = vector.shape_cast %get3A_328 : vector<1x1x16xf32> to vector<16xf32>
      %get3A_330 = arith.constant 1 : i32
      %get3A_331 = arith.index_cast %get3A_330 : i32 to index
      %get3A_332 = arith.index_cast %scan3A_257 : i32 to index
      %get3A_333 = arith.constant 64 : index
      %get3A_334 = tpu.vector_load %arg7[%get3A_331, %get3A_332, %get3A_333] {strides = array<i32>} : memref<2x128x128xf32, #tpu.memory_space<vmem>>, vector<1x1x16xf32>,
      %get3A_335 = vector.shape_cast %get3A_334 : vector<1x1x16xf32> to vector<16xf32>
      %sub3A_336 = arith.subf %get3A_329, %get3A_335 : vector<16xf32>
      %mul3A_337 = arith.mulf %sub3A_336, %sub3A_336 : vector<16xf32>
      %add3A_338 = arith.addf %scan3A_262, %mul3A_337 : vector<16xf32>
      %get3A_339 = arith.constant 3 : i32
      %get3A_340 = arith.index_cast %get3A_339 : i32 to index
      %get3A_341 = arith.index_cast %scan3A_257 : i32 to index
      %get3A_342 = arith.constant 80 : index
      %get3A_343 = tpu.vector_load %arg8[%get3A_340, %get3A_341, %get3A_342] {strides = array<i32>} : memref<4x128x128xf32, #tpu.memory_space<vmem>>, vector<1x1x16xf32>,
      %get3A_344 = vector.shape_cast %get3A_343 : vector<1x1x16xf32> to vector<16xf32>
      %get3A_345 = arith.constant 1 : i32
      %get3A_346 = arith.index_cast %get3A_345 : i32 to index
      %get3A_347 = arith.index_cast %scan3A_257 : i32 to index
      %get3A_348 = arith.constant 80 : index
      %get3A_349 = tpu.vector_load %arg7[%get3A_346, %get3A_347, %get3A_348] {strides = array<i32>} : memref<2x128x128xf32, #tpu.memory_space<vmem>>, vector<1x1x16xf32>,
      %get3A_350 = vector.shape_cast %get3A_349 : vector<1x1x16xf32> to vector<16xf32>
      %sub3A_351 = arith.subf %get3A_344, %get3A_350 : vector<16xf32>
      %mul3A_352 = arith.mulf %sub3A_351, %sub3A_351 : vector<16xf32>
      %add3A_353 = arith.addf %scan3A_263, %mul3A_352 : vector<16xf32>
      %get3A_354 = arith.constant 3 : i32
      %get3A_355 = arith.index_cast %get3A_354 : i32 to index
      %get3A_356 = arith.index_cast %scan3A_257 : i32 to index
      %get3A_357 = arith.constant 96 : index
      %get3A_358 = tpu.vector_load %arg8[%get3A_355, %get3A_356, %get3A_357] {strides = array<i32>} : memref<4x128x128xf32, #tpu.memory_space<vmem>>, vector<1x1x16xf32>,
      %get3A_359 = vector.shape_cast %get3A_358 : vector<1x1x16xf32> to vector<16xf32>
      %get3A_360 = arith.constant 1 : i32
      %get3A_361 = arith.index_cast %get3A_360 : i32 to index
      %get3A_362 = arith.index_cast %scan3A_257 : i32 to index
      %get3A_363 = arith.constant 96 : index
      %get3A_364 = tpu.vector_load %arg7[%get3A_361, %get3A_362, %get3A_363] {strides = array<i32>} : memref<2x128x128xf32, #tpu.memory_space<vmem>>, vector<1x1x16xf32>,
      %get3A_365 = vector.shape_cast %get3A_364 : vector<1x1x16xf32> to vector<16xf32>
      %sub3A_366 = arith.subf %get3A_359, %get3A_365 : vector<16xf32>
      %mul3A_367 = arith.mulf %sub3A_366, %sub3A_366 : vector<16xf32>
      %add3A_368 = arith.addf %scan3A_264, %mul3A_367 : vector<16xf32>
      %get3A_369 = arith.constant 3 : i32
      %get3A_370 = arith.index_cast %get3A_369 : i32 to index
      %get3A_371 = arith.index_cast %scan3A_257 : i32 to index
      %get3A_372 = arith.constant 112 : index
      %get3A_373 = tpu.vector_load %arg8[%get3A_370, %get3A_371, %get3A_372] {strides = array<i32>} : memref<4x128x128xf32, #tpu.memory_space<vmem>>, vector<1x1x16xf32>,
      %get3A_374 = vector.shape_cast %get3A_373 : vector<1x1x16xf32> to vector<16xf32>
      %get3A_375 = arith.constant 1 : i32
      %get3A_376 = arith.index_cast %get3A_375 : i32 to index
      %get3A_377 = arith.index_cast %scan3A_257 : i32 to index
      %get3A_378 = arith.constant 112 : index
      %get3A_379 = tpu.vector_load %arg7[%get3A_376, %get3A_377, %get3A_378] {strides = array<i32>} : memref<2x128x128xf32, #tpu.memory_space<vmem>>, vector<1x1x16xf32>,
      %get3A_380 = vector.shape_cast %get3A_379 : vector<1x1x16xf32> to vector<16xf32>
      %sub3A_381 = arith.subf %get3A_374, %get3A_380 : vector<16xf32>
      %mul3A_382 = arith.mulf %sub3A_381, %sub3A_381 : vector<16xf32>
      %add3A_383 = arith.addf %scan3A_265, %mul3A_382 : vector<16xf32>
      scf.yield %add3A_278, %add3A_293, %add3A_308, %add3A_323, %add3A_338, %add3A_353, %add3A_368, %add3A_383 : vector<16xf32>, vector<16xf32>, vector<16xf32>, vector<16xf32>, vector<16xf32>, vector<16xf32>, vector<16xf32>, vector<16xf32>
    }
    %scan3A_246 = arith.constant 128 : i32
    %add3A_247 = arith.addf %scan3A_245#0, %scan3A_245#1 : vector<16xf32>
    %add3A_248 = arith.addf %add3A_247, %scan3A_245#2 : vector<16xf32>
    %add3A_249 = arith.addf %add3A_248, %scan3A_245#3 : vector<16xf32>
    %add3A_250 = arith.addf %add3A_249, %scan3A_245#4 : vector<16xf32>
    %add3A_251 = arith.addf %add3A_250, %scan3A_245#5 : vector<16xf32>
    %add3A_252 = arith.addf %add3A_251, %scan3A_245#6 : vector<16xf32>
    %add3A_253 = arith.addf %add3A_252, %scan3A_245#7 : vector<16xf32>
    %swap3A = arith.constant 0 : index
    %swap3A_254 = tpu.vector_load %arg9[%swap3A] {strides = array<i32>} : memref<16xf32, #tpu.memory_space<vmem>>, vector<16xf32>,
    %swap3A_255 = vector.shape_cast %swap3A_254 : vector<16xf32> to vector<16xf32>
    %swap3A_256 = vector.shape_cast %add3A_253 : vector<16xf32> to vector<16xf32>
    tpu.vector_store %arg9[%swap3A], %swap3A_256 {strides = array<i32>} : memref<16xf32, #tpu.memory_space<vmem>>, vector<16xf32>,
    "tpu.region"() ({
      %run_scoped3A = tpu.sem_alloc : memref<!tpu.dma_semaphore, #tpu.memory_space<semaphore_mem>>
      %dma_start3A_257 = arith.constant 0 : i32
      %dma_start3A_258 = tpu.memref_slice %arg5[%add3A, %dma_start3A_257] : memref<32x16xf32, #tpu.memory_space<hbm>> -> memref<1x16xf32, #tpu.memory_space<hbm>>
      %dma_start3A_259 = tpu.memref_squeeze %dma_start3A_258 : memref<1x16xf32, #tpu.memory_space<hbm>> -> memref<16xf32, #tpu.memory_space<hbm>>
      %dma_start3A_260 = arith.constant 0 : i32
      %dma_start3A_261 = tpu.memref_slice %arg5[%add3A, %dma_start3A_260] : memref<32x16xf32, #tpu.memory_space<hbm>> -> memref<1x16xf32, #tpu.memory_space<hbm>>
      %dma_start3A_262 = tpu.memref_squeeze %dma_start3A_261 : memref<1x16xf32, #tpu.memory_space<hbm>> -> memref<16xf32, #tpu.memory_space<hbm>>
      tpu.enqueue_dma source(%arg9 : memref<16xf32, #tpu.memory_space<vmem>>) target(%dma_start3A_262 : memref<16xf32, #tpu.memory_space<hbm>>) target_semaphore(%run_scoped3A : memref<!tpu.dma_semaphore, #tpu.memory_space<semaphore_mem>>)
      %dma_wait3A_263 = arith.constant 0 : i32
      %dma_wait3A_264 = tpu.memref_slice %arg5[%add3A, %dma_wait3A_263] : memref<32x16xf32, #tpu.memory_space<hbm>> -> memref<1x16xf32, #tpu.memory_space<hbm>>
      %dma_wait3A_265 = tpu.memref_squeeze %dma_wait3A_264 : memref<1x16xf32, #tpu.memory_space<hbm>> -> memref<16xf32, #tpu.memory_space<hbm>>
      %dma_wait3A_266 = arith.constant 0 : i32
      %dma_wait3A_267 = tpu.memref_slice %arg5[%add3A, %dma_wait3A_266] : memref<32x16xf32, #tpu.memory_space<hbm>> -> memref<1x16xf32, #tpu.memory_space<hbm>>
      %dma_wait3A_268 = tpu.memref_squeeze %dma_wait3A_267 : memref<1x16xf32, #tpu.memory_space<hbm>> -> memref<16xf32, #tpu.memory_space<hbm>>
      tpu.wait_dma2 semaphore(%run_scoped3A : memref<!tpu.dma_semaphore, #tpu.memory_space<semaphore_mem>>) src(%arg9 : memref<16xf32, #tpu.memory_space<vmem>>) dst(%dma_wait3A_268 : memref<16xf32, #tpu.memory_space<hbm>>)
      tpu.yield
    }) : () -> ()
    return
  }
}

</mosaic_0001>

<sc_bundles>
// kernel: kernel.3.cloned.1.call-start
scs
__scs_entry_jumppad:
0x0: {  	(pc) =	sbr.rel $0x88, $3  }
0x1: {  	(tag) =	ssettag $0x0;
	lr =	simm.s32 $0x1  }
0x2: {  	[smem:$0x3F9E] =	sst lr;
	_ =	strace $0xD0000000  }
0x3: {  	_ = 	snop  }
0x4: {  	_ = 	snop  }
0x5: {  	_ = 	snop  }
0x6: {  	_ = 	snop  }
0x7: {  	_ = 	snop  }
__scs_overlays_trampoline_lowered:
0x8: {  	[smem:$0x3FAD] =	sst s0  }
0x9: {  	[smem:$0x3FAE] =	sst s1  }
0xa: {  	[smem:$0x3FAF] =	sst s2  }
0xb: {  	[smem:$0x3FB0] =	sst s3  }
0xc: {  	[smem:$0x3FB1] =	sst s4  }
0xd: {  	[smem:$0x3FB2] =	sst s5  }
0xe: {  	[smem:$0x3FB3] =	sst s6  }
0xf: {  	[smem:$0x3FB4] =	sst s7  }
0x10: {  	[smem:$0x3FB5] =	sst s8  }
0x11: {  	[smem:$0x3FB6] =	sst s9;
	s0 =	simm.s32 @!p0 $0x0  }
0x12: {  	s1 =	sld [smem:$0x3F9C];
	s0 =	simm.s32 @p0 $0x1  }
0x13: {  	[smem:$0x3FB7] =	sst s0;
	s0 =	simm.s32 @!p1 $0x0  }
0x14: {  	s2 =	sld [smem:$0x3F9B];
	s0 =	simm.s32 @p1 $0x1  }
0x15: {  	[smem:$0x3FB8] =	sst s0;
	s0 =	simm.s32 @!p2 $0x0  }
0x16: {  	s3 =	sld [smem:$0x3FDB];
	s0 =	simm.s32 @p2 $0x1  }
0x17: {  	s4 =	simm.s32 $0x1BF5;
	[smem:$0x3FBA] =	sst s0  }
0x18: {  	s0 =	sld [smem:$0x3F9D];
	_ =	swait.ge [sflag:s4], $0x0  }
0x19: {  	s7 =	sld [smem:$0x3F9E]  }
0x1a: {  	s8 =	sadd.s32 $0xFFFFE003, lr  }
0x1b: {  	s9 =	sadd.s32 $0xFFFFFEF7, lr;
	s5 =	simm.s32 $0xFFFFFFFF;
	p2 =	slt.u32 s8, $0xFFFFF086  }
0x1c: {  	p1 =	slt.u32 s9, $0xF7A;
	s5 =	simm.s32 @!p2 $0x0  }
0x1d: {  	s5 =	simm.s32 @p1 $0x1;
	p0 =	seq.s32 s7, s2  }
0x1e: {  	s7 =	smul.u32 @!p0 $0xF7A, s2;
	p2 =	seq.s32 @!p0 s5, $0x0  }
0x1f: {  	s9 =	smul.u32 $0xF7A, s1;
	s8 =	simm.s32 @!p0 $0x1BF5;
	p2 =	por !p2, p0  }
0x20: {  	[sflag:s8] =	ssyncset.s32 @!p0 $0xFFFFF086;
	s6 =	sadd.s32 @!p0 s3, s7;
	s7 =	simm.s32 @!p0 $0x108  }
0x21: {  	s3 =	sadd.s32 s3, s9;
	s6 =	sadd.s32 @!p0 $0x88, s6;
	s7 =	simm.s32 @p2 $0x1082  }
0x22: {  	[simem:s7], [sflag:s8] =	dma.local @!p0 [hbm:s6], $0xF7A  }
0x23: {  	s9 =	sor.u32 $0xD0000000, s2;
	s6 =	simm.s32 $0x108;
	_ =	swait.ge @!p0 [sflag:s8], $0x0  }
0x24: {  	s3 =	sadd.s32 $0x88, s3;
	s6 =	simm.s32 @!p1 $0x1082;
	[sflag:s4] =	ssyncset.s32 $0xFFFFF086  }
0x25: {  	[simem:s6], [sflag:s4] =	dma.local [hbm:s3], $0xF7A  }
0x26: {  	[smem:$0x3F9E] =	sst s1;
	(tag) =	ssettag s2;
	_ =	strace s9  }
0x27: {  	s1 =	sld [smem:$0x3FAE]  }
0x28: {  	s2 =	sld [smem:$0x3FAF]  }
0x29: {  	s4 =	sld [smem:$0x3FB1]  }
0x2a: {  	p0 =	seq.s32 s5, $0x0;
	s5 =	sld [smem:$0x3FB2]  }
0x2b: {  	s6 =	sld [smem:$0x3FB3]  }
0x2c: {  	s7 =	sld [smem:$0x3FB4]  }
0x2d: {  	s3 =	simm.s32 $0x108;
	s8 =	sld [smem:$0x3FB5]  }
0x2e: {  	s3 =	simm.s32 @!p0 $0x1082;
	s9 =	sld [smem:$0x3FB6]  }
0x2f: {  	lr =	sadd.s32 s0, s3;
	s0 =	sld [smem:$0x3FAD]  }
0x30: {  	s3 =	sld [smem:$0x3FB0]  }
0x31: {  	[smem:$0x3FB9] =	sst s10  }
0x32: {  	s10 =	sld [smem:$0x3FB7];
	_ =	sdelay $0x3  }
0x33: {  	p0 =	seq.s32 s10, $0x1;
	s10 =	sld [smem:$0x3FB9];
	_ =	sdelay $0x3  }
0x34: {  	[smem:$0x3FB9] =	sst s10  }
0x35: {  	s10 =	sld [smem:$0x3FB8];
	_ =	sdelay $0x3  }
0x36: {  	p1 =	seq.s32 s10, $0x1;
	s10 =	sld [smem:$0x3FB9];
	_ =	sdelay $0x3  }
0x37: {  	[smem:$0x3FB9] =	sst s10  }
0x38: {  	s10 =	sld [smem:$0x3FBA]  }
0x39: {  	_ = 	snop;
	(pc) =	sbr.ind lr, $3  }
0x3a: {  	_ = 	snop  }
0x3b: {  	_ = 	snop  }
0x3c: {  	p2 =	seq.s32 s10, $0x1;
	s10 =	sld [smem:$0x3FB9]  }
0x3d: {  	_ =	shalt  }
0x3e: {  	_ =	shalt  }
0x3f: {  	_ =	shalt  }
0x40: {  	_ =	shalt  }
0x41: {  	_ =	shalt  }
0x42: {  	_ =	shalt  }
0x43: {  	_ =	shalt  }
0x44: {  	_ =	shalt  }
0x45: {  	_ =	shalt  }
0x46: {  	_ =	shalt  }
0x47: {  	_ =	shalt  }
0x48: {  	_ =	shalt  }
0x49: {  	_ =	shalt  }
0x4a: {  	_ =	shalt  }
0x4b: {  	_ =	shalt  }
0x4c: {  	_ =	shalt  }
0x4d: {  	_ =	shalt  }
0x4e: {  	_ =	shalt  }
0x4f: {  	_ =	shalt  }
0x50: {  	_ =	shalt  }
0x51: {  	_ =	shalt  }
0x52: {  	_ =	shalt  }
0x53: {  	_ =	shalt  }
0x54: {  	_ =	shalt  }
0x55: {  	_ =	shalt  }
0x56: {  	_ =	shalt  }
0x57: {  	_ =	shalt  }
0x58: {  	_ =	shalt  }
0x59: {  	_ =	shalt  }
0x5a: {  	_ =	shalt  }
0x5b: {  	_ =	shalt  }
0x5c: {  	_ =	shalt  }
0x5d: {  	_ =	shalt  }
0x5e: {  	_ =	shalt  }
0x5f: {  	_ =	shalt  }
0x60: {  	_ =	shalt  }
0x61: {  	_ =	shalt  }
0x62: {  	_ =	shalt  }
0x63: {  	_ =	shalt  }
0x64: {  	_ =	shalt  }
0x65: {  	_ =	shalt  }
0x66: {  	_ =	shalt  }
0x67: {  	_ =	shalt  }
0x68: {  	_ =	shalt  }
0x69: {  	_ =	shalt  }
0x6a: {  	_ =	shalt  }
0x6b: {  	_ =	shalt  }
0x6c: {  	_ =	shalt  }
0x6d: {  	_ =	shalt  }
0x6e: {  	_ =	shalt  }
0x6f: {  	_ =	shalt  }
0x70: {  	_ =	shalt  }
0x71: {  	_ =	shalt  }
0x72: {  	_ =	shalt  }
0x73: {  	_ =	shalt  }
0x74: {  	_ =	shalt  }
0x75: {  	_ =	shalt  }
0x76: {  	_ =	shalt  }
0x77: {  	_ =	shalt  }
0x78: {  	_ =	shalt  }
0x79: {  	_ =	shalt  }
0x7a: {  	_ =	shalt  }
0x7b: {  	_ =	shalt  }
0x7c: {  	_ =	shalt  }
0x7d: {  	_ =	shalt  }
0x7e: {  	_ =	shalt  }
0x7f: {  	_ =	shalt  }
0x80: {  	_ =	shalt  }
0x81: {  	_ =	shalt  }
0x82: {  	_ =	shalt  }
0x83: {  	_ =	shalt  }
0x84: {  	_ =	shalt  }
0x85: {  	_ =	shalt  }
0x86: {  	_ =	shalt  }
0x87: {  	_ =	shalt  }
.Lfunc_end0:
.L_simem_size_0:
called_computation_lowered:
.L_overlay_start_0:
0x88: {  	s2 =	sld [smem:$0x3FD9]  }
0x89: {  	s3 =	sld [smem:$0x3FFE];
	_ =	sdelay $0x1  }
0x8a: {  	s1 =	srdreg.scid  }
0x8b: {  	s0 =	sand.u32 $0x1, s1  }
0x8c: {  	s17 =	sshll.u32 s0, $0xA;
	s2 =	sadd.s32 s3, s2  }
0x8d: {  	s2 =	sadd.s32 s2, s17  }
0x8e: {  	[smem:$0x3FC5] =	sst s2  }
0x8f: {  	_ = 	snop  }
0x90: {  	s2 =	sld [smem:$0x3FC9]  }
0x91: {  	s18 =	sld [smem:$0x3FC8]  }
0x92: {  	s4 =	sld [smem:$0x3FC7];
	(tm) =	ssettm $0x1  }
0x93: {  	s5 =	sld [smem:$0x3FFB];
	_ =	sdelay $0x3  }
0x94: {  	_ =	strace s5  }
0x95: {  	s5 =	sld [smem:$0x3FFC];
	_ =	sdelay $0x3  }
0x96: {  	_ =	strace s5  }
0x97: {  	s5 =	sld [smem:$0x3FFD];
	_ =	sdelay $0x3  }
0x98: {  	_ =	strace s5  }
0x99: {  	_ =	strace $0x8FFFFFFF  }
0x9a: {  	s19 =	sld [smem:$0x3FDB];
	_ =	sdelay $0x1  }
0x9b: {  	s6 =	simm.s32 $_scs_section_size  }
0x9c: {  	s7 =	simm.s32 $_size__tile_overlayer_lowered;
	s8 =	simm.s32 $_tile_overlayer_lowered  }
0x9d: {  	s22 =	simm.s32 $0x1BFF;
	s21 =	sshll.u32 s8, $0x1;
	s5 =	sadd.s32 s6, s19  }
0x9e: {  	s9 =	simm.s32 $0x0;
	s20 =	sshll.u32 s7, $0x1;
	s7 =	sadd.s32 s21, s5  }
0x9f: {  	[timem:s9], [sflag:s22] =	dma.local [hbm:s7], s20  }
0xa0: {  	_ =	swait.ge [sflag:s22], s20  }
0xa1: {  	s6 =	ssub.s32 $0x0, s20;
	[sflag:s22] =	ssyncset.done $0x0  }
0xa2: {  	[sflag:s22] =	ssyncadd.s32 s6;
	_ =	sdelay $0x1  }
0xa3: {  	s23 =	simm.s32 $0x1B8B  }
0xa4: {  	_ =	swait.ge [sflag:s23], $0x1  }
0xa5: {  	[sflag:s23] =	ssyncset.done $0x0  }
0xa6: {  	s25 =	simm.s32 $0x1B8E;
	s24 =	sld [smem:$0x3FFE];
	[sflag:s23] =	ssyncadd.s32 $0xFFFFFFFF  }
0xa7: {  	s26 =	simm.s32 $execute0_lowered;
	[smem:$0x3FD2] =	sst s25  }
0xa8: {  	s7 =	sshll.u32 s26, $0x1;
	_ =	strace $0x80000046;
	[dreg:$0x1] =	wrdreg $0xFFFFFFFF  }
0xa9: {  	s28 =	simm.s32 $_size_execute0_lowered;
	s5 =	sadd.s32 s5, s7;
	[dreg:$0x0] =	wrdreg $0x0  }
0xaa: {  	s7 =	sshll.u32 s28, $0x1;
	[dreg:$0x2] =	wrdreg s5  }
0xab: {  	[dreg:$0x3] =	wrdreg s7  }
0xac: {  	[dreg:$0x4] =	wrdreg $0xC0  }
0xad: {  	_ =	task [dreg:s9], $0x5FFFF  }
0xae: {  	[dreg:$0x1] =	wrdreg $0xFFFFFFFF  }
0xaf: {  	[dreg:$0x0] =	wrdreg $0x60  }
0xb0: {  	[dreg:$0x2] =	wrdreg s2  }
0xb1: {  	[dreg:$0x3] =	wrdreg s18  }
0xb2: {  	[dreg:$0x4] =	wrdreg s4  }
0xb3: {  	[dreg:$0x5] =	wrdreg s24  }
0xb4: {  	[dreg:$0x6] =	wrdreg $0x9  }
0xb5: {  	_ =	task.clear_ibuf [dreg:s9], $0x7FFFF;
	_ =	strace $0x90000046  }
0xb6: {  	s29 =	simm.s32 $0x9;
	_ =	strace $0x80000048  }
0xb7: {  	_ =	swait.ge [sflag:s29], $0x1  }
0xb8: {  	[sflag:s29] =	ssyncadd.s32 $0xFFFFFFFF  }
0xb9: {  	_ =	strace $0x90000048  }
0xba: {  	_ =	sfence  }
0xbb: {  	s30 =	sld [smem:$0x0];
	_ =	sdelay $0x2  }
0xbc: {  	s31 =	sshll.u32 s1, $0xD;
	s1 =	sshrl.u32 s1, $0x2  }
0xbd: {  	s3 =	sand.u32 $0x4000, s31;
	s1 =	sadd.s32 s1, s30  }
0xbe: {  	s0 =	sor.u32 s3, s0;
	s1 =	sshll.u32 s1, $0x11  }
0xbf: {  	s0 =	sor.u32 s1, s0  }
0xc0: {  	s0 =	sadd.s32 $0x8F2B, s0  }
0xc1: {  	[sflag:s0] =	ssyncadd.remote.s32 $0x1  }
0xc2: {  	_ =	sfence.sel $0xFFFF  }
0xc3: {  	[dreg:$0x0] =	wrdreg $0xFFFFFFFF;
	(pc) =	sbr.abs _section_cstart, $3  }
0xc4: {  	[dreg:$0x1] =	wrdreg $0xFFFFFFFF  }
0xc5: {  	_ =	task.clear_ibuf [dreg:s9], $0x2FFFF;
	_ =	strace $0x9FFFFFFF  }
0xc6: {  	(tm) =	ssettm $0x7FFFFFFF  }
0xc7: {  	_ =	shalt  }
tec
execute0_lowered:
.L_overlay_start_1:
0x0: {  	(tag) =	ssettag $0x1  }
0x1: {  	s4 =	rddreg [dreg:$0x0]  }
0x2: {  	s5 =	rddreg [dreg:$0x1]  }
0x3: {  	s2 =	rddreg [dreg:$0x2]  }
0x4: {  	s9 =	rddreg [dreg:$0x3]  }
0x5: {  	s0 =	rddreg [dreg:$0x4]  }
0x6: {  	s6 =	srdreg.scid;
	s1 =	stileid.u32  }
0x7: {  	s3 =	simm.s32 $0x0;
	s12 =	simm.s32 $0x8200;
	s13 =	simm.s32 $0xC200  }
0x8: {  	s14 =	simm.s32 $0x10200;
	s15 =	simm.s32 $0x14200;
	s16 =	simm.s32 $0x80  }
0x9: {  	s17 =	simm.s32 $0x200;
	s18 =	simm.s32 $0x2;
	s19 =	simm.s32 $0x4200  }
0xa: {  	s20 =	simm.s32 $0x1;
	s21 =	simm.s32 $0x100;
	s22 =	simm.s32 $0x180  }
0xb: {  	s23 =	simm.s32 $0x18200;
	s24 =	simm.s32 $0x0;
	s6 =	sand.u32 $0x1, s6  }
0xc: {  	s7 =	sshll.u32 s1, $0x1;
	[smem:$0x7FF] =	sst s3;
	s8 =	ssub.s32 $0x2, s6  }
0xd: {  	s7 =	sor.u32 s6, s7;
	_ =	strace $0x80000047;
	s29 =	sshrl.u32 s8, $0x1  }
0xe: {  	s10 =	sshll.u32 s7, $0xD;
	s30 =	sshll.u32 s7, $0x6;
	s31 =	sshll.u32 s7, $0x4  }
0xf: {  	s11 =	ssub.s32 s8, s29;
	s4 =	sadd.s32 s4, s10;
	s5 =	sadd.s32 s5, s30  }
0x10: {  	s9 =	sadd.s32 s9, s31;
	s6 =	sadd.s32 $0x800, s4;
	s7 =	sadd.s32 $0x1000, s4  }
0x11: {  	s8 =	sadd.s32 $0x1800, s4;
	s10 =	smax.u32 s11, $0x1;
	s11 =	simm.s32 $0x3  }
.LBB2_1:
0x12: {  	[tilespmem:s3], [sflag:$0x3] =	stream.linear.gather [hbm4b:s5+s3], $0x200, $0x38;
	[tilespmem:$0x18280] =	vst v63  }
0x13: {  	_ =	swait.ge [sflag:s11], $0x200  }
0x14: {  	[sflag:s11] =	ssyncset.done $0x0  }
0x15: {  	[sflag:s11] =	ssyncadd.s32 $0xFFFFFE00  }
0x16: {  	[tilespmem:s12], [sflag:$0x1] =	stream.linear.gather [hbm4b:s4+s3], $0x4000, $0x38;
	[tilespmem:$0x18280] =	vst v63  }
0x17: {  	_ = 	snop  }
0x18: {  	[tilespmem:s13], [sflag:$0x1] =	stream.linear.gather [hbm4b:s6+s3], $0x4000, $0x38;
	[tilespmem:$0x18280] =	vst v63  }
0x19: {  	_ = 	snop  }
0x1a: {  	[tilespmem:s14], [sflag:$0x1] =	stream.linear.gather [hbm4b:s7+s3], $0x4000, $0x38;
	[tilespmem:$0x18280] =	vst v63  }
0x1b: {  	_ = 	snop  }
0x1c: {  	[tilespmem:s15], [sflag:$0x1] =	stream.linear.gather [hbm4b:s8+s3], $0x4000, $0x38;
	[tilespmem:$0x18280] =	vst v63  }
0x1d: {  	_ = 	snop  }
0x1e: {  	[tilespmem:s17], [sflag:$0x2] =	stream.indirect.gather [hbm4b:s2+s16], $0x80, s3, s16, $0xb8;
	[tilespmem:$0x18280] =	vst v63  }
0x1f: {  	_ =	swait.ge [sflag:s18], $0x4000  }
0x20: {  	[sflag:s18] =	ssyncset.done $0x0  }
0x21: {  	[sflag:s18] =	ssyncadd.s32 $0xFFFFC000  }
0x22: {  	[tilespmem:s19], [sflag:$0x2] =	stream.indirect.gather [hbm4b:s2+s16], $0x80, s16, s16, $0xb8;
	[tilespmem:$0x18280] =	vst v63  }
0x23: {  	_ =	swait.ge [sflag:s20], $0x4000  }
0x24: {  	[sflag:s20] =	ssyncset.done $0x0  }
0x25: {  	s26 =	simm.s32 $0x0;
	[sflag:s20] =	ssyncadd.s32 $0xFFFFC000  }
0x26: {  	v0 =	vld [tilespmem:s26+$0x8270]  }
0x27: {  	v1 =	vld [tilespmem:s26+$0x270]  }
0x28: {  	v2 =	vld [tilespmem:s26+$0x8200]  }
0x29: {  	v3 =	vld [tilespmem:s26+$0x200]  }
0x2a: {  	v4 =	vld [tilespmem:s26+$0x8210]  }
0x2b: {  	v5 =	vld [tilespmem:s26+$0x210]  }
0x2c: {  	v6 =	vld [tilespmem:s26+$0x8220]  }
0x2d: {  	v7 =	vld [tilespmem:s26+$0x220]  }
0x2e: {  	v9 =	vld [tilespmem:s26+$0x8230]  }
0x2f: {  	v10 =	vld [tilespmem:s26+$0x230];
	_ =	sdelay $0x2  }
0x30: {  	v14 =	vld [tilespmem:s26+$0x8240];
	v0 =	vsub.f32 v0, v1;
	v1 =	vsub.f32 v2, v3  }
0x31: {  	v2 =	vsub.f32 v4, v5;
	v5 =	vld [tilespmem:s26+$0x240];
	v3 =	vsub.f32 v6, v7  }
0x32: {  	v8 =	vld [tilespmem:s26+$0x8250];
	v4 =	vimm.f32 $0.0e+00;
	v6 =	vsub.f32 v9, v10;
	v0 =	vmul.f32 v0, v0  }
0x33: {  	v11 =	vld [tilespmem:s26+$0x250];
	v7 =	vimm.f32 $0.0e+00;
	v1 =	vmul.f32 v1, v1;
	v2 =	vmul.f32 v2, v2  }
0x34: {  	v12 =	vld [tilespmem:s26+$0x260];
	v3 =	vmul.f32 v3, v3;
	v13 =	vmul.f32 v6, v6;
	v0 =	vadd.f32 v0, v4  }
0x35: {  	s25 =	simm.s32 $0x80;
	v9 =	vld [tilespmem:s26+$0x8260];
	v6 =	vimm.f32 $0.0e+00;
	v1 =	vadd.f32 v1, v4;
	v2 =	vadd.f32 v2, v4  }
0x36: {  	v10 =	vld [tilespmem:s25+$0x8270];
	s26 =	simm.s32 $0x400;
	v3 =	vadd.f32 v3, v4;
	v14 =	vsub.f32 v14, v5;
	v5 =	vimm.f32 $0.0e+00  }
.LBB2_2:
0x37: {  	p0 =	sne.s32 s26, $0xFE00;
	v15 =	vld [tilespmem:s25+$0x270]  }
0x38: {  	v16 =	vld [tilespmem:s25+$0x8200];
	v4 =	vadd.f32 v13, v4;
	v13 =	vmul.f32 v14, v14;
	v8 =	vsub.f32 v8, v11  }
0x39: {  	v11 =	vld [tilespmem:s25+$0x200]  }
0x3a: {  	v14 =	vld [tilespmem:s25+$0x8210];
	v7 =	vadd.f32 v13, v7;
	v8 =	vmul.f32 v8, v8;
	v9 =	vsub.f32 v9, v12  }
0x3b: {  	v12 =	vld [tilespmem:s25+$0x210]  }
0x3c: {  	v13 =	vld [tilespmem:s25+$0x8220];
	v10 =	vsub.f32 v10, v15;
	v6 =	vadd.f32 v8, v6;
	v8 =	vmul.f32 v9, v9  }
0x3d: {  	v9 =	vld [tilespmem:s25+$0x220]  }
0x3e: {  	v11 =	vsub.f32 v16, v11;
	v15 =	vld [tilespmem:s25+$0x8230];
	v10 =	vmul.f32 v10, v10;
	v5 =	vadd.f32 v8, v5  }
0x3f: {  	v16 =	vld [tilespmem:s25+$0x230]  }
0x40: {  	v8 =	vmul.f32 v11, v11;
	v11 =	vsub.f32 v14, v12;
	v14 =	vld [tilespmem:s25+$0x8240];
	v0 =	vadd.f32 v10, v0  }
0x41: {  	v17 =	vld [tilespmem:s25+$0x240]  }
.Ltmp0:
0x42: {  	v1 =	vadd.f32 v8, v1;
	v10 =	vmul.f32 v11, v11;
	v9 =	vsub.f32 v13, v9;
	v8 =	vld [tilespmem:s25+$0x8250];
	(pc) =	sbr.rel @p0 .LBB2_2-.Ltmp0, $4  }
0x43: {  	v11 =	vld [tilespmem:s25+$0x250]  }
0x44: {  	v2 =	vadd.f32 v10, v2;
	v13 =	vmul.f32 v9, v9;
	v15 =	vsub.f32 v15, v16;
	v9 =	vld [tilespmem:s25+$0x8260]  }
0x45: {  	v12 =	vld [tilespmem:s25+$0x260];
	s25 =	sshra.s32 s26, $0x2  }
0x46: {  	s26 =	sadd.s32 $0x200, s26;
	v10 =	vld [tilespmem:s25+$0x8270];
	v3 =	vadd.f32 v13, v3;
	v13 =	vmul.f32 v15, v15;
	v14 =	vsub.f32 v14, v17  }
0x47: {  	v15 =	vld [tilespmem:s25+$0x270]  }
0x48: {  	v16 =	vld [tilespmem:s25+$0x8200]  }
0x49: {  	v17 =	vld [tilespmem:s25+$0x200]  }
0x4a: {  	v18 =	vld [tilespmem:s25+$0x8210]  }
0x4b: {  	v19 =	vld [tilespmem:s25+$0x210]  }
0x4c: {  	v20 =	vld [tilespmem:s25+$0x8220]  }
0x4d: {  	v21 =	vld [tilespmem:s25+$0x220]  }
0x4e: {  	v22 =	vld [tilespmem:s25+$0x8230]  }
0x4f: {  	v23 =	vld [tilespmem:s25+$0x230]  }
0x50: {  	v24 =	vld [tilespmem:s25+$0x8240]  }
0x51: {  	v25 =	vld [tilespmem:s25+$0x240]  }
0x52: {  	v26 =	vld [tilespmem:s25+$0x8250]  }
0x53: {  	v27 =	vld [tilespmem:s25+$0x250]  }
0x54: {  	v28 =	vld [tilespmem:s25+$0x8260]  }
0x55: {  	v29 =	vld [tilespmem:s25+$0x260];
	_ =	swait.ge [sflag:s18], $0x4000  }
0x56: {  	[sflag:s18] =	ssyncset.done $0x0  }
0x57: {  	[sflag:s18] =	ssyncadd.s32 $0xFFFFC000  }
0x58: {  	[tilespmem:s17], [sflag:$0x2] =	stream.indirect.gather [hbm4b:s2+s16], $0x80, s21, s16, $0xb8;
	[tilespmem:$0x18280] =	vst v63  }
0x59: {  	_ =	swait.ge [sflag:s20], $0x4000  }
0x5a: {  	v8 =	vsub.f32 v8, v11;
	[sflag:s20] =	ssyncset.done $0x0  }
0x5b: {  	s26 =	simm.s32 $0x0;
	v11 =	vmul.f32 v14, v14;
	[sflag:s20] =	ssyncadd.s32 $0xFFFFC000  }
0x5c: {  	v8 =	vmul.f32 v8, v8;
	v9 =	vsub.f32 v9, v12;
	v12 =	vld [tilespmem:s26+$0xC270]  }
0x5d: {  	v4 =	vadd.f32 v13, v4;
	v7 =	vadd.f32 v11, v7;
	v11 =	vld [tilespmem:s26+$0x4270]  }
0x5e: {  	v10 =	vsub.f32 v10, v15;
	v6 =	vadd.f32 v8, v6;
	v8 =	vmul.f32 v9, v9;
	v9 =	vld [tilespmem:s26+$0xC200]  }
0x5f: {  	v13 =	vsub.f32 v16, v17;
	v14 =	vsub.f32 v18, v19;
	v15 =	vld [tilespmem:s26+$0x4200]  }
0x60: {  	v5 =	vadd.f32 v8, v5;
	v8 =	vmul.f32 v10, v10;
	v10 =	vsub.f32 v20, v21;
	v54 =	vld [tilespmem:s26+$0xC210]  }
0x61: {  	v55 =	vsub.f32 v22, v23;
	v13 =	vmul.f32 v13, v13;
	v14 =	vmul.f32 v14, v14;
	v56 =	vld [tilespmem:s26+$0x4210]  }
0x62: {  	v57 =	vadd.f32 v8, v0;
	v0 =	vmul.f32 v10, v10;
	v8 =	vsub.f32 v24, v25;
	v10 =	vld [tilespmem:s26+$0xC220]  }
0x63: {  	v13 =	vadd.f32 v13, v1;
	v14 =	vadd.f32 v14, v2;
	v1 =	vmul.f32 v55, v55;
	v2 =	vld [tilespmem:s26+$0x4220]  }
0x64: {  	v59 =	vld [tilespmem:s26+$0xC230];
	v58 =	vadd.f32 v0, v3;
	v3 =	vmul.f32 v8, v8;
	v8 =	vsub.f32 v26, v27  }
0x65: {  	v60 =	vld [tilespmem:s26+$0x4230];
	v0 =	vadd.f32 v1, v4;
	v1 =	vsub.f32 v28, v29  }
0x66: {  	v61 =	vld [tilespmem:s26+$0xC240];
	v4 =	vadd.f32 v3, v7;
	v3 =	vmul.f32 v8, v8;
	v8 =	vsub.f32 v12, v11  }
0x67: {  	v9 =	vsub.f32 v9, v15;
	v15 =	vld [tilespmem:s26+$0x4240];
	v1 =	vmul.f32 v1, v1;
	v11 =	vsub.f32 v54, v56  }
0x68: {  	v2 =	vsub.f32 v10, v2;
	v7 =	vadd.f32 v3, v6;
	v3 =	vmul.f32 v8, v8;
	v8 =	vld [tilespmem:s26+$0xC250]  }
0x69: {  	v6 =	vadd.f32 v1, v5;
	v5 =	vmul.f32 v9, v9;
	v10 =	vmul.f32 v11, v11;
	v11 =	vld [tilespmem:s26+$0x4250]  }
0x6a: {  	v63 =	vsub.f32 v59, v60;
	v12 =	vld [tilespmem:s26+$0x4260];
	v62 =	vmul.f32 v2, v2;
	v1 =	vadd.f32 v3, v57  }
0x6b: {  	s25 =	simm.s32 $0x80;
	v9 =	vld [tilespmem:s26+$0xC260];
	v2 =	vadd.f32 v5, v13;
	v3 =	vadd.f32 v10, v14  }
0x6c: {  	s26 =	simm.s32 $0x400;
	v10 =	vld [tilespmem:s25+$0xC270];
	v13 =	vmul.f32 v63, v63;
	v14 =	vsub.f32 v61, v15;
	v5 =	vadd.f32 v62, v58  }
.LBB2_4:
0x6d: {  	p0 =	sne.s32 s26, $0xFE00;
	v15 =	vld [tilespmem:s25+$0x4270]  }
0x6e: {  	v16 =	vld [tilespmem:s25+$0xC200];
	v0 =	vadd.f32 v13, v0;
	v13 =	vmul.f32 v14, v14;
	v8 =	vsub.f32 v8, v11  }
0x6f: {  	v11 =	vld [tilespmem:s25+$0x4200]  }
0x70: {  	v14 =	vld [tilespmem:s25+$0xC210];
	v4 =	vadd.f32 v13, v4;
	v8 =	vmul.f32 v8, v8;
	v9 =	vsub.f32 v9, v12  }
0x71: {  	v12 =	vld [tilespmem:s25+$0x4210]  }
0x72: {  	v13 =	vld [tilespmem:s25+$0xC220];
	v10 =	vsub.f32 v10, v15;
	v7 =	vadd.f32 v8, v7;
	v8 =	vmul.f32 v9, v9  }
0x73: {  	v9 =	vld [tilespmem:s25+$0x4220]  }
0x74: {  	v11 =	vsub.f32 v16, v11;
	v15 =	vld [tilespmem:s25+$0xC230];
	v10 =	vmul.f32 v10, v10;
	v6 =	vadd.f32 v8, v6  }
0x75: {  	v16 =	vld [tilespmem:s25+$0x4230]  }
0x76: {  	v8 =	vmul.f32 v11, v11;
	v11 =	vsub.f32 v14, v12;
	v14 =	vld [tilespmem:s25+$0xC240];
	v1 =	vadd.f32 v10, v1  }
0x77: {  	v17 =	vld [tilespmem:s25+$0x4240]  }
.Ltmp1:
0x78: {  	v2 =	vadd.f32 v8, v2;
	v10 =	vmul.f32 v11, v11;
	v9 =	vsub.f32 v13, v9;
	v8 =	vld [tilespmem:s25+$0xC250];
	(pc) =	sbr.rel @p0 .LBB2_4-.Ltmp1, $4  }
0x79: {  	v11 =	vld [tilespmem:s25+$0x4250]  }
0x7a: {  	v3 =	vadd.f32 v10, v3;
	v13 =	vmul.f32 v9, v9;
	v15 =	vsub.f32 v15, v16;
	v9 =	vld [tilespmem:s25+$0xC260]  }
0x7b: {  	v12 =	vld [tilespmem:s25+$0x4260];
	s25 =	sshra.s32 s26, $0x2  }
0x7c: {  	s26 =	sadd.s32 $0x200, s26;
	v10 =	vld [tilespmem:s25+$0xC270];
	v5 =	vadd.f32 v13, v5;
	v13 =	vmul.f32 v15, v15;
	v14 =	vsub.f32 v14, v17  }
0x7d: {  	v15 =	vld [tilespmem:s25+$0x4270]  }
0x7e: {  	v16 =	vld [tilespmem:s25+$0xC200]  }
0x7f: {  	v17 =	vld [tilespmem:s25+$0x4200]  }
0x80: {  	v18 =	vld [tilespmem:s25+$0xC210]  }
0x81: {  	v19 =	vld [tilespmem:s25+$0x4210]  }
0x82: {  	v20 =	vld [tilespmem:s25+$0xC220]  }
0x83: {  	v21 =	vld [tilespmem:s25+$0x4220]  }
0x84: {  	v22 =	vld [tilespmem:s25+$0xC230]  }
0x85: {  	v23 =	vld [tilespmem:s25+$0x4230]  }
0x86: {  	v24 =	vld [tilespmem:s25+$0xC240]  }
0x87: {  	v25 =	vld [tilespmem:s25+$0x4240]  }
0x88: {  	v26 =	vld [tilespmem:s25+$0xC250]  }
0x89: {  	v27 =	vld [tilespmem:s25+$0x4250]  }
0x8a: {  	v28 =	vld [tilespmem:s25+$0xC260]  }
0x8b: {  	v29 =	vld [tilespmem:s25+$0x4260];
	_ =	swait.ge [sflag:s18], $0x4000  }
0x8c: {  	[sflag:s18] =	ssyncset.done $0x0  }
0x8d: {  	[sflag:s18] =	ssyncadd.s32 $0xFFFFC000  }
0x8e: {  	[tilespmem:s19], [sflag:$0x2] =	stream.indirect.gather [hbm4b:s2+s16], $0x80, s22, s16, $0xb8;
	[tilespmem:$0x18280] =	vst v63  }
0x8f: {  	_ =	swait.ge [sflag:s20], $0x4000  }
0x90: {  	v8 =	vsub.f32 v8, v11;
	[sflag:s20] =	ssyncset.done $0x0  }
0x91: {  	s26 =	simm.s32 $0x0;
	v11 =	vmul.f32 v14, v14;
	[sflag:s20] =	ssyncadd.s32 $0xFFFFC000  }
0x92: {  	v8 =	vmul.f32 v8, v8;
	v9 =	vsub.f32 v9, v12;
	v12 =	vld [tilespmem:s26+$0x10270]  }
0x93: {  	v0 =	vadd.f32 v13, v0;
	v4 =	vadd.f32 v11, v4;
	v11 =	vld [tilespmem:s26+$0x270]  }
0x94: {  	v10 =	vsub.f32 v10, v15;
	v7 =	vadd.f32 v8, v7;
	v8 =	vmul.f32 v9, v9;
	v9 =	vld [tilespmem:s26+$0x10200]  }
0x95: {  	v13 =	vsub.f32 v16, v17;
	v14 =	vsub.f32 v18, v19;
	v15 =	vld [tilespmem:s26+$0x200]  }
0x96: {  	v6 =	vadd.f32 v8, v6;
	v8 =	vmul.f32 v10, v10;
	v10 =	vsub.f32 v20, v21;
	v56 =	vld [tilespmem:s26+$0x10210]  }
0x97: {  	v57 =	vsub.f32 v22, v23;
	v13 =	vmul.f32 v13, v13;
	v14 =	vmul.f32 v14, v14;
	v58 =	vld [tilespmem:s26+$0x210]  }
0x98: {  	v59 =	vld [tilespmem:s26+$0x10220];
	v1 =	vadd.f32 v8, v1;
	v8 =	vmul.f32 v10, v10;
	v10 =	vsub.f32 v24, v25  }
0x99: {  	v2 =	vadd.f32 v13, v2;
	v3 =	vadd.f32 v14, v3;
	v13 =	vmul.f32 v57, v57;
	v14 =	vld [tilespmem:s26+$0x220]  }
0x9a: {  	v60 =	vld [tilespmem:s26+$0x10230];
	v5 =	vadd.f32 v8, v5;
	v8 =	vmul.f32 v10, v10;
	v10 =	vsub.f32 v26, v27  }
0x9b: {  	v61 =	vld [tilespmem:s26+$0x230];
	v0 =	vadd.f32 v13, v0;
	v13 =	vsub.f32 v28, v29  }
0x9c: {  	v62 =	vld [tilespmem:s26+$0x10240];
	v9 =	vsub.f32 v9, v15;
	v4 =	vadd.f32 v8, v4;
	v8 =	vmul.f32 v10, v10  }
0x9d: {  	v15 =	vld [tilespmem:s26+$0x240];
	v10 =	vsub.f32 v12, v11;
	v11 =	vmul.f32 v13, v13;
	v12 =	vsub.f32 v56, v58  }
0x9e: {  	v13 =	vsub.f32 v59, v14;
	v14 =	vmul.f32 v9, v9;
	v7 =	vadd.f32 v8, v7;
	v8 =	vld [tilespmem:s26+$0x10250]  }
0x9f: {  	v10 =	vmul.f32 v10, v10;
	v6 =	vadd.f32 v11, v6;
	v12 =	vmul.f32 v12, v12;
	v11 =	vld [tilespmem:s26+$0x250]  }
0xa0: {  	v63 =	vsub.f32 v60, v61;
	v9 =	vld [tilespmem:s26+$0x10260];
	v13 =	vmul.f32 v13, v13;
	v2 =	vadd.f32 v14, v2  }
0xa1: {  	s25 =	simm.s32 $0x80;
	v1 =	vadd.f32 v10, v1;
	v3 =	vadd.f32 v12, v3;
	v12 =	vld [tilespmem:s26+$0x260]  }
0xa2: {  	v10 =	vld [tilespmem:s25+$0x10270];
	s26 =	simm.s32 $0x400;
	v14 =	vsub.f32 v62, v15;
	v5 =	vadd.f32 v13, v5;
	v13 =	vmul.f32 v63, v63  }
.LBB2_6:
0xa3: {  	p0 =	sne.s32 s26, $0xFE00;
	v15 =	vld [tilespmem:s25+$0x270]  }
0xa4: {  	v16 =	vld [tilespmem:s25+$0x10200];
	v0 =	vadd.f32 v13, v0;
	v13 =	vmul.f32 v14, v14;
	v8 =	vsub.f32 v8, v11  }
0xa5: {  	v11 =	vld [tilespmem:s25+$0x200]  }
0xa6: {  	v14 =	vld [tilespmem:s25+$0x10210];
	v4 =	vadd.f32 v13, v4;
	v8 =	vmul.f32 v8, v8;
	v9 =	vsub.f32 v9, v12  }
0xa7: {  	v12 =	vld [tilespmem:s25+$0x210]  }
0xa8: {  	v13 =	vld [tilespmem:s25+$0x10220];
	v10 =	vsub.f32 v10, v15;
	v7 =	vadd.f32 v8, v7;
	v8 =	vmul.f32 v9, v9  }
0xa9: {  	v9 =	vld [tilespmem:s25+$0x220]  }
0xaa: {  	v11 =	vsub.f32 v16, v11;
	v15 =	vld [tilespmem:s25+$0x10230];
	v10 =	vmul.f32 v10, v10;
	v6 =	vadd.f32 v8, v6  }
0xab: {  	v16 =	vld [tilespmem:s25+$0x230]  }
0xac: {  	v8 =	vmul.f32 v11, v11;
	v11 =	vsub.f32 v14, v12;
	v14 =	vld [tilespmem:s25+$0x10240];
	v1 =	vadd.f32 v10, v1  }
0xad: {  	v17 =	vld [tilespmem:s25+$0x240]  }
.Ltmp2:
0xae: {  	v2 =	vadd.f32 v8, v2;
	v10 =	vmul.f32 v11, v11;
	v9 =	vsub.f32 v13, v9;
	v8 =	vld [tilespmem:s25+$0x10250];
	(pc) =	sbr.rel @p0 .LBB2_6-.Ltmp2, $4  }
0xaf: {  	v11 =	vld [tilespmem:s25+$0x250]  }
0xb0: {  	v3 =	vadd.f32 v10, v3;
	v13 =	vmul.f32 v9, v9;
	v15 =	vsub.f32 v15, v16;
	v9 =	vld [tilespmem:s25+$0x10260]  }
0xb1: {  	v12 =	vld [tilespmem:s25+$0x260];
	s25 =	sshra.s32 s26, $0x2  }
0xb2: {  	s26 =	sadd.s32 $0x200, s26;
	v10 =	vld [tilespmem:s25+$0x10270];
	v5 =	vadd.f32 v13, v5;
	v13 =	vmul.f32 v15, v15;
	v14 =	vsub.f32 v14, v17  }
0xb3: {  	v15 =	vld [tilespmem:s25+$0x270]  }
0xb4: {  	v16 =	vld [tilespmem:s25+$0x10200]  }
0xb5: {  	v17 =	vld [tilespmem:s25+$0x200]  }
0xb6: {  	v18 =	vld [tilespmem:s25+$0x10210]  }
0xb7: {  	v19 =	vld [tilespmem:s25+$0x210]  }
0xb8: {  	v20 =	vld [tilespmem:s25+$0x10220]  }
0xb9: {  	v21 =	vld [tilespmem:s25+$0x220]  }
0xba: {  	v22 =	vld [tilespmem:s25+$0x10230]  }
0xbb: {  	v23 =	vld [tilespmem:s25+$0x230]  }
0xbc: {  	v24 =	vld [tilespmem:s25+$0x10240]  }
0xbd: {  	v25 =	vld [tilespmem:s25+$0x240]  }
0xbe: {  	v26 =	vld [tilespmem:s25+$0x10250]  }
0xbf: {  	v27 =	vld [tilespmem:s25+$0x250]  }
0xc0: {  	v28 =	vld [tilespmem:s25+$0x10260]  }
0xc1: {  	v29 =	vld [tilespmem:s25+$0x260];
	_ =	swait.ge [sflag:s18], $0x4000  }
0xc2: {  	[sflag:s18] =	ssyncset.done $0x0  }
0xc3: {  	[sflag:s18] =	ssyncadd.s32 $0xFFFFC000  }
0xc4: {  	v8 =	vsub.f32 v8, v11;
	_ =	swait.ge [sflag:s20], $0x4000  }
0xc5: {  	v11 =	vmul.f32 v14, v14;
	[sflag:s20] =	ssyncset.done $0x0  }
0xc6: {  	s26 =	simm.s32 $0x0;
	v8 =	vmul.f32 v8, v8;
	v9 =	vsub.f32 v9, v12;
	[sflag:s20] =	ssyncadd.s32 $0xFFFFC000  }
0xc7: {  	v0 =	vadd.f32 v13, v0;
	v11 =	vadd.f32 v11, v4;
	v12 =	vld [tilespmem:s26+$0x14270]  }
0xc8: {  	v4 =	vsub.f32 v10, v15;
	v7 =	vadd.f32 v8, v7;
	v8 =	vmul.f32 v9, v9;
	v13 =	vld [tilespmem:s26+$0x4270]  }
0xc9: {  	v10 =	vsub.f32 v16, v17;
	v14 =	vsub.f32 v18, v19;
	v9 =	vld [tilespmem:s26+$0x14200]  }
0xca: {  	v15 =	vld [tilespmem:s26+$0x4200];
	v6 =	vadd.f32 v8, v6;
	v4 =	vmul.f32 v4, v4;
	v8 =	vsub.f32 v20, v21  }
0xcb: {  	v55 =	vsub.f32 v22, v23;
	v54 =	vld [tilespmem:s26+$0x14210];
	v10 =	vmul.f32 v10, v10  }
0xcc: {  	v56 =	vld [tilespmem:s26+$0x4210];
	v14 =	vmul.f32 v14, v14;
	v57 =	vadd.f32 v4, v1;
	v1 =	vmul.f32 v8, v8  }
0xcd: {  	v4 =	vsub.f32 v24, v25;
	v8 =	vld [tilespmem:s26+$0x14220];
	v58 =	vadd.f32 v10, v2;
	v2 =	vmul.f32 v55, v55  }
0xce: {  	v59 =	vsub.f32 v26, v27;
	v14 =	vadd.f32 v14, v3;
	v10 =	vld [tilespmem:s26+$0x4220]  }
0xcf: {  	v60 =	vld [tilespmem:s26+$0x14230];
	v5 =	vadd.f32 v1, v5;
	v1 =	vmul.f32 v4, v4;
	v4 =	vadd.f32 v2, v0  }
0xd0: {  	v61 =	vld [tilespmem:s26+$0x4230];
	v0 =	vsub.f32 v28, v29;
	v9 =	vsub.f32 v9, v15  }
0xd1: {  	v15 =	vld [tilespmem:s26+$0x4240];
	v3 =	vadd.f32 v1, v11;
	v1 =	vmul.f32 v59, v59;
	v11 =	vsub.f32 v12, v13  }
0xd2: {  	v13 =	vld [tilespmem:s26+$0x14240];
	v0 =	vmul.f32 v0, v0;
	v12 =	vsub.f32 v54, v56  }
0xd3: {  	v8 =	vsub.f32 v8, v10;
	v10 =	vld [tilespmem:s26+$0x14250];
	v2 =	vadd.f32 v1, v7;
	v7 =	vmul.f32 v11, v11  }
0xd4: {  	v1 =	vadd.f32 v0, v6;
	v6 =	vmul.f32 v9, v9;
	v11 =	vmul.f32 v12, v12;
	v12 =	vld [tilespmem:s26+$0x4250]  }
0xd5: {  	v63 =	vsub.f32 v60, v61;
	v9 =	vld [tilespmem:s26+$0x14260];
	v62 =	vmul.f32 v8, v8;
	v0 =	vadd.f32 v7, v57  }
0xd6: {  	s25 =	simm.s32 $0x80;
	v6 =	vadd.f32 v6, v58;
	v7 =	vadd.f32 v11, v14;
	v11 =	vld [tilespmem:s26+$0x4260]  }
0xd7: {  	v8 =	vld [tilespmem:s25+$0x14270];
	s26 =	simm.s32 $0x400;
	v14 =	vmul.f32 v63, v63;
	v5 =	vadd.f32 v62, v5;
	v13 =	vsub.f32 v13, v15  }
.LBB2_8:
0xd8: {  	p0 =	sne.s32 s26, $0xFE00;
	v15 =	vld [tilespmem:s25+$0x4270]  }
0xd9: {  	v16 =	vld [tilespmem:s25+$0x14200];
	v4 =	vadd.f32 v14, v4;
	v13 =	vmul.f32 v13, v13;
	v10 =	vsub.f32 v10, v12  }
0xda: {  	v12 =	vld [tilespmem:s25+$0x4200]  }
0xdb: {  	v14 =	vld [tilespmem:s25+$0x14210];
	v3 =	vadd.f32 v13, v3;
	v10 =	vmul.f32 v10, v10;
	v9 =	vsub.f32 v9, v11  }
0xdc: {  	v11 =	vld [tilespmem:s25+$0x4210]  }
0xdd: {  	v13 =	vld [tilespmem:s25+$0x14220];
	v8 =	vsub.f32 v8, v15;
	v2 =	vadd.f32 v10, v2;
	v9 =	vmul.f32 v9, v9  }
0xde: {  	v10 =	vld [tilespmem:s25+$0x4220]  }
0xdf: {  	v12 =	vsub.f32 v16, v12;
	v15 =	vld [tilespmem:s25+$0x14230];
	v8 =	vmul.f32 v8, v8;
	v1 =	vadd.f32 v9, v1  }
0xe0: {  	v9 =	vld [tilespmem:s25+$0x4230]  }
0xe1: {  	v12 =	vmul.f32 v12, v12;
	v11 =	vsub.f32 v14, v11;
	v16 =	vld [tilespmem:s25+$0x14240];
	v0 =	vadd.f32 v8, v0  }
0xe2: {  	v17 =	vld [tilespmem:s25+$0x4240]  }
.Ltmp3:
0xe3: {  	v6 =	vadd.f32 v12, v6;
	v8 =	vmul.f32 v11, v11;
	v11 =	vsub.f32 v13, v10;
	v10 =	vld [tilespmem:s25+$0x14250];
	(pc) =	sbr.rel @p0 .LBB2_8-.Ltmp3, $4  }
0xe4: {  	v12 =	vld [tilespmem:s25+$0x4250]  }
0xe5: {  	v7 =	vadd.f32 v8, v7;
	v13 =	vmul.f32 v11, v11;
	v14 =	vsub.f32 v15, v9;
	v9 =	vld [tilespmem:s25+$0x14260]  }
0xe6: {  	v11 =	vld [tilespmem:s25+$0x4260];
	s25 =	sshra.s32 s26, $0x2  }
0xe7: {  	s26 =	sadd.s32 $0x200, s26;
	v8 =	vld [tilespmem:s25+$0x14270];
	v5 =	vadd.f32 v13, v5;
	v14 =	vmul.f32 v14, v14;
	v13 =	vsub.f32 v16, v17  }
0xe8: {  	v15 =	vld [tilespmem:s25+$0x14200]  }
0xe9: {  	v16 =	vld [tilespmem:s25+$0x4200]  }
0xea: {  	v17 =	vld [tilespmem:s25+$0x14210]  }
0xeb: {  	v18 =	vld [tilespmem:s25+$0x4210]  }
0xec: {  	v19 =	vld [tilespmem:s25+$0x14220]  }
0xed: {  	v20 =	vld [tilespmem:s25+$0x4220]  }
0xee: {  	v21 =	vld [tilespmem:s25+$0x14230]  }
0xef: {  	v22 =	vld [tilespmem:s25+$0x4230]  }
0xf0: {  	v23 =	vld [tilespmem:s25+$0x14240]  }
0xf1: {  	v44 =	vld [tilespmem:s25+$0x4240];
	v15 =	vsub.f32 v15, v16;
	v43 =	vsub.f32 v17, v18  }
0xf2: {  	v49 =	vld [tilespmem:s25+$0x14250];
	v4 =	vadd.f32 v14, v4  }
0xf3: {  	v51 =	vld [tilespmem:s25+$0x4250];
	v48 =	vsub.f32 v19, v20;
	v46 =	vmul.f32 v15, v15;
	v47 =	vmul.f32 v43, v43  }
0xf4: {  	v53 =	vld [tilespmem:s25+$0x14260];
	v10 =	vsub.f32 v10, v12;
	v45 =	vmul.f32 v13, v13;
	v50 =	vsub.f32 v21, v22  }
0xf5: {  	v55 =	vld [tilespmem:s25+$0x4260];
	v52 =	vmul.f32 v48, v48;
	v6 =	vadd.f32 v46, v6;
	v7 =	vadd.f32 v47, v7  }
0xf6: {  	v3 =	vadd.f32 v45, v3;
	v54 =	vsub.f32 v23, v44  }
0xf7: {  	v56 =	vld [tilespmem:s25+$0x4270];
	v12 =	vmul.f32 v50, v50;
	v5 =	vadd.f32 v52, v5;
	v6 =	vadd.f32 v7, v6  }
0xf8: {  	v9 =	vsub.f32 v9, v11;
	v10 =	vmul.f32 v10, v10;
	v57 =	vsub.f32 v49, v51  }
0xf9: {  	v11 =	vmul.f32 v54, v54;
	v4 =	vadd.f32 v12, v4;
	v5 =	vadd.f32 v5, v6  }
0xfa: {  	v2 =	vadd.f32 v10, v2;
	v58 =	vmul.f32 v9, v9;
	v60 =	vsub.f32 v53, v55  }
0xfb: {  	v59 =	vmul.f32 v57, v57;
	v3 =	vadd.f32 v11, v3;
	v4 =	vadd.f32 v4, v5  }
0xfc: {  	v61 =	vsub.f32 v8, v56;
	v1 =	vadd.f32 v58, v1  }
0xfd: {  	v62 =	vmul.f32 v60, v60;
	v2 =	vadd.f32 v59, v2;
	v3 =	vadd.f32 v3, v4;
	_ =	sdelay $0x1  }
0xfe: {  	v63 =	vmul.f32 v61, v61;
	v1 =	vadd.f32 v62, v1;
	v2 =	vadd.f32 v2, v3;
	_ =	sdelay $0x1  }
0xff: {  	v0 =	vadd.f32 v63, v0;
	v1 =	vadd.f32 v1, v2;
	_ =	sdelay $0x1  }
0x100: {  	s24 =	sadd.s32 $0x1, s24;
	v0 =	vadd.f32 v0, v1  }
0x101: {  	p0 =	sne.s32 s24, s10  }
.Ltmp4:
0x102: {  	[tilespmem:$0x18200] =	vst v0;
	(pc) =	sbr.rel @p0 .LBB2_1-.Ltmp4, $4  }
0x103: {  	[hbm4b:s9+s3] =	stream.linear.scatter [tilespmem:s23], [sflag:$0x3], $0x80, $0x38;
	[tilespmem:$0x18280] =	vst v63  }
0x104: {  	_ =	swait.ge [sflag:s11], $0x80  }
0x105: {  	[sflag:s11] =	ssyncset.done $0x0  }
0x106: {  	[sflag:s11] =	ssyncadd.s32 $0xFFFFFF80  }
0x107: {  	_ =	sfence.sel $0x180000  }
0x108: {  	[bflag:$0x0] =	sbarrier.arrive $0xFFFF  }
0x109: {  	p0 =	sne.s32 s1, $0x0;
	_ =	strace $0x90000047  }
0x10a: {  	s0 =	sadd.s32 @!p0 $0x100000, s0;
	[bflag:$0x2] =	sbarrier.arrive $0xFFFF  }
0x10b: {  	[sflag:s0] =	ssyncadd.tile.s32 @!p0 $0x1;
	_ =	shalt  }
.Lfunc_end2:
_tile_overlayer_lowered:
.L_overlay_start_2:
0x10c: {  	(tag) =	ssettag $0x2  }
0x10d: {  	s0 =	rddreg [dreg:$0x0];
	s2 =	stileid.u32  }
0x10e: {  	s1 =	rddreg [dreg:$0x1];
	p0 =	sne.s32 s2, $0x0  }
0x10f: {  	s3 =	rddreg [dreg:$0x2];
	[bflag:$0x3] =	sbarrier.arrive $0xFFFF;
	s2 =	simm.s32 @!p0 $0x1C03  }
0x110: {  	[timem:s3], [sflag:s2] =	dma.local @!p0 [hbm:s0], s1  }
0x111: {  	s0 =	simm.s32 @!p0 $0x3  }
0x112: {  	_ =	swait.ge @!p0 [sflag:s0], s1  }
0x113: {  	s1 =	ssub.s32 @!p0 $0x0, s1;
	[sflag:s0] =	ssyncset.done @!p0 $0x0  }
0x114: {  	[sflag:s0] =	ssyncadd.s32 @!p0 s1  }
0x115: {  	[bflag:$0x3] =	sbarrier.arrive $0xFFFF  }
0x116: {  	_ =	shalt  }

</sc_bundles>
